<compile_context>
chip_gen: v7x
topology: tpu7x:2x2x1
jax: 0.10.2.dev20260603
libtpu: 0.0.44.dev20260713+nightly
codegen_flags: <defaults>
</compile_context>

<pallas_src>
import functools

import jax
import jax.numpy as jnp
from jax import lax
from jax.experimental import pallas as pl
from jax.experimental.pallas import tpu as pltpu
from jax.experimental.pallas import tpu_sc as plsc

N_NODES = 10000
N_EDGES = 320000
D_FEAT = 128
HIDDEN = 128
N_CLASSES = 40

ROW_BLOCK = 1000

NUM_CORES = 2
NUM_SUBCORES = 16
NUM_WORKERS = NUM_CORES * NUM_SUBCORES
CHUNK = 128
N_CHUNKS = 80
EDGES_PER_TILE = N_CHUNKS * CHUNK
N_EDGES_PAD = NUM_WORKERS * EDGES_PER_TILE
N_PAD = 10240
ROWS_PER_TILE = N_PAD // NUM_SUBCORES
DUMMY_DST = N_NODES



def _norm_mm_body(x_ref, w_ref, o_ref):
    x = x_ref[...]
    nrm = jnp.sqrt(jnp.sum(x * x, axis=1, keepdims=True))
    xn = x / jnp.maximum(nrm, 1e-12)
    o_ref[...] = jnp.dot(xn, w_ref[...], preferred_element_type=jnp.float32)


def _norm_mm(x, w):
    grid = (N_NODES // ROW_BLOCK,)
    return pl.pallas_call(
        _norm_mm_body,
        grid=grid,
        in_specs=[
            pl.BlockSpec((ROW_BLOCK, D_FEAT), lambda i: (i, 0)),
            pl.BlockSpec((D_FEAT, HIDDEN), lambda i: (0, 0)),
        ],
        out_specs=pl.BlockSpec((ROW_BLOCK, HIDDEN), lambda i: (i, 0)),
        out_shape=jax.ShapeDtypeStruct((N_NODES, HIDDEN), jnp.float32),
    )(x, w)


def _mid_body(p_ref, b_ref, w_ref, o_ref):
    h = jax.nn.relu(p_ref[0] + p_ref[1] + b_ref[...])
    nrm = jnp.sqrt(jnp.sum(h * h, axis=1, keepdims=True))
    hn = h / jnp.maximum(nrm, 1e-12)
    o_ref[...] = jnp.dot(hn, w_ref[...], preferred_element_type=jnp.float32)


def _mid(partials, b, w):
    grid = (N_NODES // ROW_BLOCK,)
    return pl.pallas_call(
        _mid_body,
        grid=grid,
        in_specs=[
            pl.BlockSpec((2, ROW_BLOCK, HIDDEN), lambda i: (0, i, 0)),
            pl.BlockSpec((1, HIDDEN), lambda i: (0, 0)),
            pl.BlockSpec((HIDDEN, HIDDEN), lambda i: (0, 0)),
        ],
        out_specs=pl.BlockSpec((ROW_BLOCK, HIDDEN), lambda i: (i, 0)),
        out_shape=jax.ShapeDtypeStruct((N_NODES, HIDDEN), jnp.float32),
    )(partials, b, w)


def _head_body(p_ref, b2_ref, wl1_ref, bl1_ref, wl2_ref, bl2_ref, o_ref):
    h = jax.nn.relu(p_ref[0] + p_ref[1] + b2_ref[...])
    h = jax.nn.relu(
        jnp.dot(h, wl1_ref[...], preferred_element_type=jnp.float32)
        + bl1_ref[...])
    z = jnp.dot(h, wl2_ref[...], preferred_element_type=jnp.float32) + bl2_ref[...]
    m = jnp.max(z, axis=-1, keepdims=True)
    e = jnp.exp(z - m)
    o_ref[...] = e / jnp.sum(e, axis=-1, keepdims=True)


def _head(partials, b2, wl1, bl1, wl2, bl2):
    grid = (N_NODES // ROW_BLOCK,)
    return pl.pallas_call(
        _head_body,
        grid=grid,
        in_specs=[
            pl.BlockSpec((2, ROW_BLOCK, HIDDEN), lambda i: (0, i, 0)),
            pl.BlockSpec((1, HIDDEN), lambda i: (0, 0)),
            pl.BlockSpec((HIDDEN, HIDDEN), lambda i: (0, 0)),
            pl.BlockSpec((1, HIDDEN), lambda i: (0, 0)),
            pl.BlockSpec((HIDDEN, N_CLASSES), lambda i: (0, 0)),
            pl.BlockSpec((1, N_CLASSES), lambda i: (0, 0)),
        ],
        out_specs=pl.BlockSpec((ROW_BLOCK, N_CLASSES), lambda i: (i, 0)),
        out_shape=jax.ShapeDtypeStruct((N_NODES, N_CLASSES), jnp.float32),
    )(partials, b2, wl1, bl1, wl2, bl2)



_SC_MESH = plsc.VectorSubcoreMesh(core_axis_name="c", subcore_axis_name="s")


@functools.partial(
    pl.kernel,
    mesh=_SC_MESH,
    out_type=jax.ShapeDtypeStruct((NUM_CORES, N_PAD, HIDDEN), jnp.float32),
    scratch_types=[
        pltpu.VMEM((N_CHUNKS, CHUNK), jnp.int32),
        pltpu.VMEM((CHUNK,), jnp.int32),
        pltpu.VMEM((CHUNK,), jnp.int32),
        pltpu.VMEM((CHUNK, HIDDEN), jnp.float32),
        pltpu.VMEM((CHUNK, HIDDEN), jnp.float32),
        pltpu.VMEM_SHARED((N_PAD, HIDDEN), jnp.float32),
        pltpu.SemaphoreType.DMA,
        pltpu.SemaphoreType.DMA,
        pltpu.SemaphoreType.DMA,
        pltpu.SemaphoreType.DMA,
        pltpu.SemaphoreType.DMA,
        pltpu.SemaphoreType.DMA,
        pltpu.SemaphoreType.DMA,
    ],
)
def _aggregate(h_hbm, src_hbm, dst_hbm, zeros_hbm, out_hbm,
               src_all, ddx0, ddx1, rows0, rows1, acc_sh,
               isem, dsem0, dsem1, gsem0, gsem1, ssem0, ssem1):
    c = lax.axis_index("c")
    s = lax.axis_index("s")
    wid = c * NUM_SUBCORES + s

    idx_g = pltpu.async_copy(src_hbm.at[wid], src_all, isem)

    pltpu.sync_copy(zeros_hbm.at[pl.ds(s * ROWS_PER_TILE, ROWS_PER_TILE)],
                    acc_sh.at[pl.ds(s * ROWS_PER_TILE, ROWS_PER_TILE)])
    idx_g.wait()
    plsc.subcore_barrier()

    def body(k, carry):
        i0 = 2 * k
        i1 = i0 + 1
        f0 = pltpu.async_copy(dst_hbm.at[wid, i0], ddx0, dsem0)
        f1 = pltpu.async_copy(dst_hbm.at[wid, i1], ddx1, dsem1)
        g0 = pltpu.async_copy(h_hbm.at[src_all.at[i0]], rows0, gsem0)
        g1 = pltpu.async_copy(h_hbm.at[src_all.at[i1]], rows1, gsem1)
        g0.wait()
        f0.wait()
        s0 = pltpu.async_copy(rows0, acc_sh.at[ddx0], ssem0, add=True)
        g1.wait()
        f1.wait()
        s1 = pltpu.async_copy(rows1, acc_sh.at[ddx1], ssem1, add=True)
        s0.wait()
        s1.wait()
        return carry

    lax.fori_loop(0, N_CHUNKS // 2, body, 0)
    plsc.subcore_barrier()

    pltpu.sync_copy(acc_sh.at[pl.ds(s * ROWS_PER_TILE, ROWS_PER_TILE)],
                    out_hbm.at[c, pl.ds(s * ROWS_PER_TILE, ROWS_PER_TILE)])



def kernel(x, edge_index, W1, b1, W2, b2, Wl1, bl1, Wl2, bl2):
    real_per_tile = N_EDGES // NUM_WORKERS
    pad_per_tile = EDGES_PER_TILE - real_per_tile
    src_r = edge_index[0].astype(jnp.int32).reshape(NUM_WORKERS, real_per_tile)
    dst_r = edge_index[1].astype(jnp.int32).reshape(NUM_WORKERS, real_per_tile)
    dummy_dst = jnp.broadcast_to(
        DUMMY_DST + jnp.arange(pad_per_tile, dtype=jnp.int32),
        (NUM_WORKERS, pad_per_tile))
    src = jnp.concatenate(
        [src_r, jnp.zeros((NUM_WORKERS, pad_per_tile), jnp.int32)], axis=1
    ).reshape(NUM_WORKERS, N_CHUNKS, CHUNK)
    dst = jnp.concatenate([dst_r, dummy_dst], axis=1
    ).reshape(NUM_WORKERS, N_CHUNKS, CHUNK)
    zeros = jnp.zeros((N_PAD, HIDDEN), jnp.float32)

    h1 = _norm_mm(x, W1)
    p1 = _aggregate(h1, src, dst, zeros)
    h2 = _mid(p1, b1.reshape(1, HIDDEN), W2)
    p2 = _aggregate(h2, src, dst, zeros)
    return _head(p2, b2.reshape(1, HIDDEN), Wl1, bl1.reshape(1, HIDDEN),
                 Wl2, bl2.reshape(1, N_CLASSES))

# --- scband reference (transcript-rebuilt; emitter-appended) ---
"""Pipeline reference for scband-gcn-nc-37752762532357 (READ-ONLY COPY).

The authoritative reference and input builder live on the scoring server;
editing this copy changes nothing except your own understanding.
"""

import jax, jax.numpy as jnp
import numpy as np

N_NODES = 10000
N_EDGES = 320000
D_FEAT = 128
HIDDEN = 128
N_CLASSES = 40


def setup_inputs(seed: int = 0) -> dict:
    key = jax.random.key(seed)
    ks = jax.random.split(key, 12)
    x = jax.random.normal(ks[0], (N_NODES, D_FEAT), dtype=jnp.float32)
    edge_index = jax.random.randint(ks[1], (2, N_EDGES), 0, N_NODES, dtype=jnp.int64)
    s = 1.0 / np.sqrt(D_FEAT)
    sh = 1.0 / np.sqrt(HIDDEN)
    W1 = jax.random.uniform(ks[2], (D_FEAT, HIDDEN), jnp.float32, -s, s)
    b1 = jnp.zeros((HIDDEN,), jnp.float32)
    W2 = jax.random.uniform(ks[3], (HIDDEN, HIDDEN), jnp.float32, -sh, sh)
    b2 = jnp.zeros((HIDDEN,), jnp.float32)
    Wl1 = jax.random.uniform(ks[4], (HIDDEN, HIDDEN), jnp.float32, -sh, sh)
    bl1 = jax.random.uniform(ks[5], (HIDDEN,), jnp.float32, -sh, sh)
    Wl2 = jax.random.uniform(ks[6], (HIDDEN, N_CLASSES), jnp.float32, -sh, sh)
    bl2 = jax.random.uniform(ks[7], (N_CLASSES,), jnp.float32, -sh, sh)
    return {"x": x, "edge_index": edge_index, "W1": W1, "b1": b1, "W2": W2, "b2": b2,
            "Wl1": Wl1, "bl1": bl1, "Wl2": Wl2, "bl2": bl2}


def _l2_normalize(x):
    # matches F.normalize(x, p=2, dim=-1) with eps=1e-12
    norm = jnp.sqrt(jnp.sum(x * x, axis=-1, keepdims=True))
    return x / jnp.maximum(norm, 1e-12)


def _gcn_conv(x, edge_index, W, b):
    # GCNConv with normalize=False: linear, then sum-aggregate messages from src to dst, then bias
    h = x @ W
    src = edge_index[0]
    dst = edge_index[1]
    msgs = jnp.take(h, src, axis=0)
    agg = jax.ops.segment_sum(msgs, dst, num_segments=x.shape[0])
    return agg + b


def reference(x, edge_index, W1, b1, W2, b2, Wl1, bl1, Wl2, bl2):
    h = jax.nn.relu(_gcn_conv(_l2_normalize(x), edge_index, W1, b1))
    h = jax.nn.relu(_gcn_conv(_l2_normalize(h), edge_index, W2, b2))
    h = jax.nn.relu(h @ Wl1 + bl1)
    # dropout is identity in eval mode
    h = h @ Wl2 + bl2
    return jax.nn.softmax(h, axis=-1)

if __name__ == "__main__":
    import jax
    _d = setup_inputs()
    print(jax.jit(kernel)(*tuple(_d.values())))

</pallas_src>

<mosaic_0001>
#map = affine_map<(d0, d1) -> (0, 0)>
#map1 = affine_map<(d0, d1) -> (0, 0, 0)>
module attributes {stable_mosaic.version = 14 : i64} {
  func.func @_aggregate(%arg0: i32, %arg1: i32, %arg2: memref<10000x128xf32, #tpu.memory_space<hbm>>, %arg3: memref<32x80x128xi32, #tpu.memory_space<hbm>>, %arg4: memref<32x80x128xi32, #tpu.memory_space<hbm>>, %arg5: memref<10240x128xf32, #tpu.memory_space<hbm>>, %arg6: memref<2x10240x128xf32, #tpu.memory_space<hbm>>, %arg7: memref<80x128xi32, #tpu.memory_space<vmem>>, %arg8: memref<128xi32, #tpu.memory_space<vmem>>, %arg9: memref<128xi32, #tpu.memory_space<vmem>>, %arg10: memref<128x128xf32, #tpu.memory_space<vmem>>, %arg11: memref<128x128xf32, #tpu.memory_space<vmem>>, %arg12: memref<10240x128xf32, #tpu.memory_space<vmem_shared>>, %arg13: memref<!tpu.dma_semaphore, #tpu.memory_space<semaphore_mem>>, %arg14: memref<!tpu.dma_semaphore, #tpu.memory_space<semaphore_mem>>, %arg15: memref<!tpu.dma_semaphore, #tpu.memory_space<semaphore_mem>>, %arg16: memref<!tpu.dma_semaphore, #tpu.memory_space<semaphore_mem>>, %arg17: memref<!tpu.dma_semaphore, #tpu.memory_space<semaphore_mem>>, %arg18: memref<!tpu.dma_semaphore, #tpu.memory_space<semaphore_mem>>, %arg19: memref<!tpu.dma_semaphore, #tpu.memory_space<semaphore_mem>>) attributes {dimension_semantics = [#tpu.dimension_semantics<core_parallel>, #tpu.dimension_semantics<subcore_parallel>], iteration_bounds = array<i64: 2, 16>, scalar_prefetch = 0 : i64, scratch_operands = 13 : i64, tpu.core_type = #tpu.core_type<sc_vector_subcore>, window_params = [{transform_indices = #map}, {transform_indices = #map1}, {transform_indices = #map1}, {transform_indices = #map}, {transform_indices = #map1}]} {
    %mul3A = arith.constant 16 : i32
    %mul3A_0 = arith.muli %arg0, %mul3A : i32
    %add3A = arith.addi %mul3A_0, %arg1 : i32
    %dma_start3A = arith.constant 0 : i32
    %dma_start3A_1 = arith.constant 0 : i32
    %dma_start3A_2 = tpu.memref_slice %arg3[%add3A, %dma_start3A, %dma_start3A_1] : memref<32x80x128xi32, #tpu.memory_space<hbm>> -> memref<1x80x128xi32, #tpu.memory_space<hbm>>
    %dma_start3A_3 = tpu.memref_squeeze %dma_start3A_2 : memref<1x80x128xi32, #tpu.memory_space<hbm>> -> memref<80x128xi32, #tpu.memory_space<hbm>>
    %dma_start3A_4 = arith.constant 0 : i32
    %dma_start3A_5 = arith.constant 0 : i32
    %dma_start3A_6 = tpu.memref_slice %arg3[%add3A, %dma_start3A_4, %dma_start3A_5] : memref<32x80x128xi32, #tpu.memory_space<hbm>> -> memref<1x80x128xi32, #tpu.memory_space<hbm>>
    %dma_start3A_7 = tpu.memref_squeeze %dma_start3A_6 : memref<1x80x128xi32, #tpu.memory_space<hbm>> -> memref<80x128xi32, #tpu.memory_space<hbm>>
    tpu.enqueue_dma source(%dma_start3A_7 : memref<80x128xi32, #tpu.memory_space<hbm>>) target(%arg7 : memref<80x128xi32, #tpu.memory_space<vmem>>) target_semaphore(%arg13 : memref<!tpu.dma_semaphore, #tpu.memory_space<semaphore_mem>>)
    %mul3A_8 = arith.constant 640 : i32
    %mul3A_9 = arith.muli %arg1, %mul3A_8 : i32
    %mul3A_10 = arith.constant 640 : i32
    %mul3A_11 = arith.muli %arg1, %mul3A_10 : i32
    "tpu.region"() ({
      %run_scoped3A = tpu.sem_alloc : memref<!tpu.dma_semaphore, #tpu.memory_space<semaphore_mem>>
      %dma_start3A_29 = arith.constant 0 : i32
      %dma_start3A_30 = tpu.memref_slice %arg12[%mul3A_11, %dma_start3A_29] : memref<10240x128xf32, #tpu.memory_space<vmem_shared>> -> memref<640x128xf32, #tpu.memory_space<vmem_shared>>
      %dma_start3A_31 = arith.constant 0 : i32
      %dma_start3A_32 = tpu.memref_slice %arg5[%mul3A_9, %dma_start3A_31] : memref<10240x128xf32, #tpu.memory_space<hbm>> -> memref<640x128xf32, #tpu.memory_space<hbm>>
      tpu.enqueue_dma source(%dma_start3A_32 : memref<640x128xf32, #tpu.memory_space<hbm>>) target(%dma_start3A_30 : memref<640x128xf32, #tpu.memory_space<vmem_shared>>) target_semaphore(%run_scoped3A : memref<!tpu.dma_semaphore, #tpu.memory_space<semaphore_mem>>)
      %dma_wait3A_33 = arith.constant 0 : i32
      %dma_wait3A_34 = tpu.memref_slice %arg12[%mul3A_11, %dma_wait3A_33] : memref<10240x128xf32, #tpu.memory_space<vmem_shared>> -> memref<640x128xf32, #tpu.memory_space<vmem_shared>>
      %dma_wait3A_35 = arith.constant 0 : i32
      %dma_wait3A_36 = tpu.memref_slice %arg5[%mul3A_9, %dma_wait3A_35] : memref<10240x128xf32, #tpu.memory_space<hbm>> -> memref<640x128xf32, #tpu.memory_space<hbm>>
      tpu.wait_dma2 semaphore(%run_scoped3A : memref<!tpu.dma_semaphore, #tpu.memory_space<semaphore_mem>>) src(%dma_wait3A_36 : memref<640x128xf32, #tpu.memory_space<hbm>>) dst(%dma_wait3A_34 : memref<640x128xf32, #tpu.memory_space<vmem_shared>>)
      tpu.yield
    }) : () -> ()
    %dma_wait3A = arith.constant 0 : i32
    %dma_wait3A_12 = arith.constant 0 : i32
    %dma_wait3A_13 = tpu.memref_slice %arg3[%add3A, %dma_wait3A, %dma_wait3A_12] : memref<32x80x128xi32, #tpu.memory_space<hbm>> -> memref<1x80x128xi32, #tpu.memory_space<hbm>>
    %dma_wait3A_14 = tpu.memref_squeeze %dma_wait3A_13 : memref<1x80x128xi32, #tpu.memory_space<hbm>> -> memref<80x128xi32, #tpu.memory_space<hbm>>
    %dma_wait3A_15 = arith.constant 0 : i32
    %dma_wait3A_16 = arith.constant 0 : i32
    %dma_wait3A_17 = tpu.memref_slice %arg3[%add3A, %dma_wait3A_15, %dma_wait3A_16] : memref<32x80x128xi32, #tpu.memory_space<hbm>> -> memref<1x80x128xi32, #tpu.memory_space<hbm>>
    %dma_wait3A_18 = tpu.memref_squeeze %dma_wait3A_17 : memref<1x80x128xi32, #tpu.memory_space<hbm>> -> memref<80x128xi32, #tpu.memory_space<hbm>>
    tpu.wait_dma2 semaphore(%arg13 : memref<!tpu.dma_semaphore, #tpu.memory_space<semaphore_mem>>) src(%dma_wait3A_18 : memref<80x128xi32, #tpu.memory_space<hbm>>) dst(%arg7 : memref<80x128xi32, #tpu.memory_space<vmem>>)
    %barrier3A = arith.constant 0 : index
    tpu.barrier barrier_id(%barrier3A)
    %scan3A = arith.constant 0 : i32
    %scan3A_19 = arith.constant 0 : i32
    %scan3A_20 = arith.constant 40 : i32
    %scan3A_21 = arith.addi %scan3A_19, %scan3A_20 : i32
    %scan3A_22 = arith.constant 1 : i32
    scf.for %scan3A_29 = %scan3A_19 to %scan3A_21 step %scan3A_22  : i32 {
      %mul3A_30 = arith.constant 2 : i32
      %mul3A_31 = arith.muli %mul3A_30, %scan3A_29 : i32
      %add3A_32 = arith.constant 1 : i32
      %add3A_33 = arith.addi %mul3A_31, %add3A_32 : i32
      %dma_start3A_34 = arith.constant 0 : i32
      %dma_start3A_35 = tpu.memref_slice %arg4[%add3A, %mul3A_31, %dma_start3A_34] : memref<32x80x128xi32, #tpu.memory_space<hbm>> -> memref<1x1x128xi32, #tpu.memory_space<hbm>>
      %dma_start3A_36 = tpu.memref_squeeze %dma_start3A_35 : memref<1x1x128xi32, #tpu.memory_space<hbm>> -> memref<128xi32, #tpu.memory_space<hbm>>
      %dma_start3A_37 = arith.constant 0 : i32
      %dma_start3A_38 = tpu.memref_slice %arg4[%add3A, %mul3A_31, %dma_start3A_37] : memref<32x80x128xi32, #tpu.memory_space<hbm>> -> memref<1x1x128xi32, #tpu.memory_space<hbm>>
      %dma_start3A_39 = tpu.memref_squeeze %dma_start3A_38 : memref<1x1x128xi32, #tpu.memory_space<hbm>> -> memref<128xi32, #tpu.memory_space<hbm>>
      tpu.enqueue_dma source(%dma_start3A_39 : memref<128xi32, #tpu.memory_space<hbm>>) target(%arg8 : memref<128xi32, #tpu.memory_space<vmem>>) target_semaphore(%arg14 : memref<!tpu.dma_semaphore, #tpu.memory_space<semaphore_mem>>)
      %dma_start3A_40 = arith.constant 0 : i32
      %dma_start3A_41 = tpu.memref_slice %arg4[%add3A, %add3A_33, %dma_start3A_40] : memref<32x80x128xi32, #tpu.memory_space<hbm>> -> memref<1x1x128xi32, #tpu.memory_space<hbm>>
      %dma_start3A_42 = tpu.memref_squeeze %dma_start3A_41 : memref<1x1x128xi32, #tpu.memory_space<hbm>> -> memref<128xi32, #tpu.memory_space<hbm>>
      %dma_start3A_43 = arith.constant 0 : i32
      %dma_start3A_44 = tpu.memref_slice %arg4[%add3A, %add3A_33, %dma_start3A_43] : memref<32x80x128xi32, #tpu.memory_space<hbm>> -> memref<1x1x128xi32, #tpu.memory_space<hbm>>
      %dma_start3A_45 = tpu.memref_squeeze %dma_start3A_44 : memref<1x1x128xi32, #tpu.memory_space<hbm>> -> memref<128xi32, #tpu.memory_space<hbm>>
      tpu.enqueue_dma source(%dma_start3A_45 : memref<128xi32, #tpu.memory_space<hbm>>) target(%arg9 : memref<128xi32, #tpu.memory_space<vmem>>) target_semaphore(%arg15 : memref<!tpu.dma_semaphore, #tpu.memory_space<semaphore_mem>>)
      %dma_start3A_46 = arith.constant 0 : i32
      %dma_start3A_47 = tpu.memref_slice %arg7[%mul3A_31, %dma_start3A_46] : memref<80x128xi32, #tpu.memory_space<vmem>> -> memref<1x128xi32, #tpu.memory_space<vmem>>
      %dma_start3A_48 = tpu.memref_squeeze %dma_start3A_47 : memref<1x128xi32, #tpu.memory_space<vmem>> -> memref<128xi32, #tpu.memory_space<vmem>>
      %dma_start3A_49 = arith.constant 0 : i32
      %dma_start3A_50 = arith.constant 0 : i32
      %dma_start3A_51 = tpu.memref_slice %arg2[%dma_start3A_49, %dma_start3A_50] : memref<10000x128xf32, #tpu.memory_space<hbm>> -> memref<10000x128xf32, #tpu.memory_space<hbm>>
      tpu.enqueue_indirect_dma source(%dma_start3A_51 : memref<10000x128xf32, #tpu.memory_space<hbm>>) target(%arg10 : memref<128x128xf32, #tpu.memory_space<vmem>>) offsets(%dma_start3A_48 : memref<128xi32, #tpu.memory_space<vmem>>) semaphore(%arg16 : memref<!tpu.dma_semaphore, #tpu.memory_space<semaphore_mem>>)
      %dma_start3A_52 = arith.constant 0 : i32
      %dma_start3A_53 = tpu.memref_slice %arg7[%add3A_33, %dma_start3A_52] : memref<80x128xi32, #tpu.memory_space<vmem>> -> memref<1x128xi32, #tpu.memory_space<vmem>>
      %dma_start3A_54 = tpu.memref_squeeze %dma_start3A_53 : memref<1x128xi32, #tpu.memory_space<vmem>> -> memref<128xi32, #tpu.memory_space<vmem>>
      %dma_start3A_55 = arith.constant 0 : i32
      %dma_start3A_56 = arith.constant 0 : i32
      %dma_start3A_57 = tpu.memref_slice %arg2[%dma_start3A_55, %dma_start3A_56] : memref<10000x128xf32, #tpu.memory_space<hbm>> -> memref<10000x128xf32, #tpu.memory_space<hbm>>
      tpu.enqueue_indirect_dma source(%dma_start3A_57 : memref<10000x128xf32, #tpu.memory_space<hbm>>) target(%arg11 : memref<128x128xf32, #tpu.memory_space<vmem>>) offsets(%dma_start3A_54 : memref<128xi32, #tpu.memory_space<vmem>>) semaphore(%arg17 : memref<!tpu.dma_semaphore, #tpu.memory_space<semaphore_mem>>)
      %dma_wait3A_58 = arith.constant 0 : i32
      %dma_wait3A_59 = tpu.memref_slice %arg7[%mul3A_31, %dma_wait3A_58] : memref<80x128xi32, #tpu.memory_space<vmem>> -> memref<1x128xi32, #tpu.memory_space<vmem>>
      %dma_wait3A_60 = tpu.memref_squeeze %dma_wait3A_59 : memref<1x128xi32, #tpu.memory_space<vmem>> -> memref<128xi32, #tpu.memory_space<vmem>>
      %dma_wait3A_61 = arith.constant 0 : i32
      %dma_wait3A_62 = arith.constant 0 : i32
      %dma_wait3A_63 = tpu.memref_slice %arg2[%dma_wait3A_61, %dma_wait3A_62] : memref<10000x128xf32, #tpu.memory_space<hbm>> -> memref<10000x128xf32, #tpu.memory_space<hbm>>
      tpu.wait_indirect_dma semaphore(%arg16 : memref<!tpu.dma_semaphore, #tpu.memory_space<semaphore_mem>>) src(%dma_wait3A_63 : memref<10000x128xf32, #tpu.memory_space<hbm>>) dst(%arg10 : memref<128x128xf32, #tpu.memory_space<vmem>>)
      %dma_wait3A_64 = arith.constant 0 : i32
      %dma_wait3A_65 = tpu.memref_slice %arg4[%add3A, %mul3A_31, %dma_wait3A_64] : memref<32x80x128xi32, #tpu.memory_space<hbm>> -> memref<1x1x128xi32, #tpu.memory_space<hbm>>
      %dma_wait3A_66 = tpu.memref_squeeze %dma_wait3A_65 : memref<1x1x128xi32, #tpu.memory_space<hbm>> -> memref<128xi32, #tpu.memory_space<hbm>>
      %dma_wait3A_67 = arith.constant 0 : i32
      %dma_wait3A_68 = tpu.memref_slice %arg4[%add3A, %mul3A_31, %dma_wait3A_67] : memref<32x80x128xi32, #tpu.memory_space<hbm>> -> memref<1x1x128xi32, #tpu.memory_space<hbm>>
      %dma_wait3A_69 = tpu.memref_squeeze %dma_wait3A_68 : memref<1x1x128xi32, #tpu.memory_space<hbm>> -> memref<128xi32, #tpu.memory_space<hbm>>
      tpu.wait_dma2 semaphore(%arg14 : memref<!tpu.dma_semaphore, #tpu.memory_space<semaphore_mem>>) src(%dma_wait3A_69 : memref<128xi32, #tpu.memory_space<hbm>>) dst(%arg8 : memref<128xi32, #tpu.memory_space<vmem>>)
      %dma_start3A_70 = arith.constant 0 : i32
      %dma_start3A_71 = arith.constant 0 : i32
      %dma_start3A_72 = tpu.memref_slice %arg12[%dma_start3A_70, %dma_start3A_71] : memref<10240x128xf32, #tpu.memory_space<vmem_shared>> -> memref<10240x128xf32, #tpu.memory_space<vmem_shared>>
      tpu.enqueue_indirect_dma source(%arg10 : memref<128x128xf32, #tpu.memory_space<vmem>>) target(%dma_start3A_72 : memref<10240x128xf32, #tpu.memory_space<vmem_shared>>) offsets(%arg8 : memref<128xi32, #tpu.memory_space<vmem>>) semaphore(%arg18 : memref<!tpu.dma_semaphore, #tpu.memory_space<semaphore_mem>>) {add = true}
      %dma_wait3A_73 = arith.constant 0 : i32
      %dma_wait3A_74 = tpu.memref_slice %arg7[%add3A_33, %dma_wait3A_73] : memref<80x128xi32, #tpu.memory_space<vmem>> -> memref<1x128xi32, #tpu.memory_space<vmem>>
      %dma_wait3A_75 = tpu.memref_squeeze %dma_wait3A_74 : memref<1x128xi32, #tpu.memory_space<vmem>> -> memref<128xi32, #tpu.memory_space<vmem>>
      %dma_wait3A_76 = arith.constant 0 : i32
      %dma_wait3A_77 = arith.constant 0 : i32
      %dma_wait3A_78 = tpu.memref_slice %arg2[%dma_wait3A_76, %dma_wait3A_77] : memref<10000x128xf32, #tpu.memory_space<hbm>> -> memref<10000x128xf32, #tpu.memory_space<hbm>>
      tpu.wait_indirect_dma semaphore(%arg17 : memref<!tpu.dma_semaphore, #tpu.memory_space<semaphore_mem>>) src(%dma_wait3A_78 : memref<10000x128xf32, #tpu.memory_space<hbm>>) dst(%arg11 : memref<128x128xf32, #tpu.memory_space<vmem>>)
      %dma_wait3A_79 = arith.constant 0 : i32
      %dma_wait3A_80 = tpu.memref_slice %arg4[%add3A, %add3A_33, %dma_wait3A_79] : memref<32x80x128xi32, #tpu.memory_space<hbm>> -> memref<1x1x128xi32, #tpu.memory_space<hbm>>
      %dma_wait3A_81 = tpu.memref_squeeze %dma_wait3A_80 : memref<1x1x128xi32, #tpu.memory_space<hbm>> -> memref<128xi32, #tpu.memory_space<hbm>>
      %dma_wait3A_82 = arith.constant 0 : i32
      %dma_wait3A_83 = tpu.memref_slice %arg4[%add3A, %add3A_33, %dma_wait3A_82] : memref<32x80x128xi32, #tpu.memory_space<hbm>> -> memref<1x1x128xi32, #tpu.memory_space<hbm>>
      %dma_wait3A_84 = tpu.memref_squeeze %dma_wait3A_83 : memref<1x1x128xi32, #tpu.memory_space<hbm>> -> memref<128xi32, #tpu.memory_space<hbm>>
      tpu.wait_dma2 semaphore(%arg15 : memref<!tpu.dma_semaphore, #tpu.memory_space<semaphore_mem>>) src(%dma_wait3A_84 : memref<128xi32, #tpu.memory_space<hbm>>) dst(%arg9 : memref<128xi32, #tpu.memory_space<vmem>>)
      %dma_start3A_85 = arith.constant 0 : i32
      %dma_start3A_86 = arith.constant 0 : i32
      %dma_start3A_87 = tpu.memref_slice %arg12[%dma_start3A_85, %dma_start3A_86] : memref<10240x128xf32, #tpu.memory_space<vmem_shared>> -> memref<10240x128xf32, #tpu.memory_space<vmem_shared>>
      tpu.enqueue_indirect_dma source(%arg11 : memref<128x128xf32, #tpu.memory_space<vmem>>) target(%dma_start3A_87 : memref<10240x128xf32, #tpu.memory_space<vmem_shared>>) offsets(%arg9 : memref<128xi32, #tpu.memory_space<vmem>>) semaphore(%arg19 : memref<!tpu.dma_semaphore, #tpu.memory_space<semaphore_mem>>) {add = true}
      %dma_wait3A_88 = arith.constant 0 : i32
      %dma_wait3A_89 = arith.constant 0 : i32
      %dma_wait3A_90 = tpu.memref_slice %arg12[%dma_wait3A_88, %dma_wait3A_89] : memref<10240x128xf32, #tpu.memory_space<vmem_shared>> -> memref<10240x128xf32, #tpu.memory_space<vmem_shared>>
      tpu.wait_indirect_dma semaphore(%arg18 : memref<!tpu.dma_semaphore, #tpu.memory_space<semaphore_mem>>) src(%arg10 : memref<128x128xf32, #tpu.memory_space<vmem>>) dst(%dma_wait3A_90 : memref<10240x128xf32, #tpu.memory_space<vmem_shared>>)
      %dma_wait3A_91 = arith.constant 0 : i32
      %dma_wait3A_92 = arith.constant 0 : i32
      %dma_wait3A_93 = tpu.memref_slice %arg12[%dma_wait3A_91, %dma_wait3A_92] : memref<10240x128xf32, #tpu.memory_space<vmem_shared>> -> memref<10240x128xf32, #tpu.memory_space<vmem_shared>>
      tpu.wait_indirect_dma semaphore(%arg19 : memref<!tpu.dma_semaphore, #tpu.memory_space<semaphore_mem>>) src(%arg11 : memref<128x128xf32, #tpu.memory_space<vmem>>) dst(%dma_wait3A_93 : memref<10240x128xf32, #tpu.memory_space<vmem_shared>>)
    }
    %scan3A_23 = arith.constant 40 : i32
    %barrier3A_24 = arith.constant 0 : index
    tpu.barrier barrier_id(%barrier3A_24)
    %mul3A_25 = arith.constant 640 : i32
    %mul3A_26 = arith.muli %arg1, %mul3A_25 : i32
    %mul3A_27 = arith.constant 640 : i32
    %mul3A_28 = arith.muli %arg1, %mul3A_27 : i32
    "tpu.region"() ({
      %run_scoped3A = tpu.sem_alloc : memref<!tpu.dma_semaphore, #tpu.memory_space<semaphore_mem>>
      %dma_start3A_29 = arith.constant 0 : i32
      %dma_start3A_30 = tpu.memref_slice %arg6[%arg0, %mul3A_28, %dma_start3A_29] : memref<2x10240x128xf32, #tpu.memory_space<hbm>> -> memref<1x640x128xf32, #tpu.memory_space<hbm>>
      %dma_start3A_31 = tpu.memref_squeeze %dma_start3A_30 : memref<1x640x128xf32, #tpu.memory_space<hbm>> -> memref<640x128xf32, #tpu.memory_space<hbm>>
      %dma_start3A_32 = arith.constant 0 : i32
      %dma_start3A_33 = tpu.memref_slice %arg12[%mul3A_26, %dma_start3A_32] : memref<10240x128xf32, #tpu.memory_space<vmem_shared>> -> memref<640x128xf32, #tpu.memory_space<vmem_shared>>
      tpu.enqueue_dma source(%dma_start3A_33 : memref<640x128xf32, #tpu.memory_space<vmem_shared>>) target(%dma_start3A_31 : memref<640x128xf32, #tpu.memory_space<hbm>>) target_semaphore(%run_scoped3A : memref<!tpu.dma_semaphore, #tpu.memory_space<semaphore_mem>>)
      %dma_wait3A_34 = arith.constant 0 : i32
      %dma_wait3A_35 = tpu.memref_slice %arg6[%arg0, %mul3A_28, %dma_wait3A_34] : memref<2x10240x128xf32, #tpu.memory_space<hbm>> -> memref<1x640x128xf32, #tpu.memory_space<hbm>>
      %dma_wait3A_36 = tpu.memref_squeeze %dma_wait3A_35 : memref<1x640x128xf32, #tpu.memory_space<hbm>> -> memref<640x128xf32, #tpu.memory_space<hbm>>
      %dma_wait3A_37 = arith.constant 0 : i32
      %dma_wait3A_38 = tpu.memref_slice %arg12[%mul3A_26, %dma_wait3A_37] : memref<10240x128xf32, #tpu.memory_space<vmem_shared>> -> memref<640x128xf32, #tpu.memory_space<vmem_shared>>
      tpu.wait_dma2 semaphore(%run_scoped3A : memref<!tpu.dma_semaphore, #tpu.memory_space<semaphore_mem>>) src(%dma_wait3A_38 : memref<640x128xf32, #tpu.memory_space<vmem_shared>>) dst(%dma_wait3A_36 : memref<640x128xf32, #tpu.memory_space<hbm>>)
      tpu.yield
    }) : () -> ()
    return
  }
}

#map = affine_map<(d0, d1) -> (0, 0)>
#map1 = affine_map<(d0, d1) -> (0, 0, 0)>
module attributes {stable_mosaic.version = 14 : i64} {
  func.func @_aggregate(%arg0: i32, %arg1: i32, %arg2: memref<10000x128xf32, #tpu.memory_space<hbm>>, %arg3: memref<32x80x128xi32, #tpu.memory_space<hbm>>, %arg4: memref<32x80x128xi32, #tpu.memory_space<hbm>>, %arg5: memref<10240x128xf32, #tpu.memory_space<hbm>>, %arg6: memref<2x10240x128xf32, #tpu.memory_space<hbm>>, %arg7: memref<80x128xi32, #tpu.memory_space<vmem>>, %arg8: memref<128xi32, #tpu.memory_space<vmem>>, %arg9: memref<128xi32, #tpu.memory_space<vmem>>, %arg10: memref<128x128xf32, #tpu.memory_space<vmem>>, %arg11: memref<128x128xf32, #tpu.memory_space<vmem>>, %arg12: memref<10240x128xf32, #tpu.memory_space<vmem_shared>>, %arg13: memref<!tpu.dma_semaphore, #tpu.memory_space<semaphore_mem>>, %arg14: memref<!tpu.dma_semaphore, #tpu.memory_space<semaphore_mem>>, %arg15: memref<!tpu.dma_semaphore, #tpu.memory_space<semaphore_mem>>, %arg16: memref<!tpu.dma_semaphore, #tpu.memory_space<semaphore_mem>>, %arg17: memref<!tpu.dma_semaphore, #tpu.memory_space<semaphore_mem>>, %arg18: memref<!tpu.dma_semaphore, #tpu.memory_space<semaphore_mem>>, %arg19: memref<!tpu.dma_semaphore, #tpu.memory_space<semaphore_mem>>) attributes {dimension_semantics = [#tpu.dimension_semantics<core_parallel>, #tpu.dimension_semantics<subcore_parallel>], iteration_bounds = array<i64: 2, 16>, scalar_prefetch = 0 : i64, scratch_operands = 13 : i64, tpu.core_type = #tpu.core_type<sc_vector_subcore>, window_params = [{transform_indices = #map}, {transform_indices = #map1}, {transform_indices = #map1}, {transform_indices = #map}, {transform_indices = #map1}]} {
    %mul3A = arith.constant 16 : i32
    %mul3A_0 = arith.muli %arg0, %mul3A : i32
    %add3A = arith.addi %mul3A_0, %arg1 : i32
    %dma_start3A = arith.constant 0 : i32
    %dma_start3A_1 = arith.constant 0 : i32
    %dma_start3A_2 = tpu.memref_slice %arg3[%add3A, %dma_start3A, %dma_start3A_1] : memref<32x80x128xi32, #tpu.memory_space<hbm>> -> memref<1x80x128xi32, #tpu.memory_space<hbm>>
    %dma_start3A_3 = tpu.memref_squeeze %dma_start3A_2 : memref<1x80x128xi32, #tpu.memory_space<hbm>> -> memref<80x128xi32, #tpu.memory_space<hbm>>
    %dma_start3A_4 = arith.constant 0 : i32
    %dma_start3A_5 = arith.constant 0 : i32
    %dma_start3A_6 = tpu.memref_slice %arg3[%add3A, %dma_start3A_4, %dma_start3A_5] : memref<32x80x128xi32, #tpu.memory_space<hbm>> -> memref<1x80x128xi32, #tpu.memory_space<hbm>>
    %dma_start3A_7 = tpu.memref_squeeze %dma_start3A_6 : memref<1x80x128xi32, #tpu.memory_space<hbm>> -> memref<80x128xi32, #tpu.memory_space<hbm>>
    tpu.enqueue_dma source(%dma_start3A_7 : memref<80x128xi32, #tpu.memory_space<hbm>>) target(%arg7 : memref<80x128xi32, #tpu.memory_space<vmem>>) target_semaphore(%arg13 : memref<!tpu.dma_semaphore, #tpu.memory_space<semaphore_mem>>)
    %mul3A_8 = arith.constant 640 : i32
    %mul3A_9 = arith.muli %arg1, %mul3A_8 : i32
    %mul3A_10 = arith.constant 640 : i32
    %mul3A_11 = arith.muli %arg1, %mul3A_10 : i32
    "tpu.region"() ({
      %run_scoped3A = tpu.sem_alloc : memref<!tpu.dma_semaphore, #tpu.memory_space<semaphore_mem>>
      %dma_start3A_29 = arith.constant 0 : i32
      %dma_start3A_30 = tpu.memref_slice %arg12[%mul3A_11, %dma_start3A_29] : memref<10240x128xf32, #tpu.memory_space<vmem_shared>> -> memref<640x128xf32, #tpu.memory_space<vmem_shared>>
      %dma_start3A_31 = arith.constant 0 : i32
      %dma_start3A_32 = tpu.memref_slice %arg5[%mul3A_9, %dma_start3A_31] : memref<10240x128xf32, #tpu.memory_space<hbm>> -> memref<640x128xf32, #tpu.memory_space<hbm>>
      tpu.enqueue_dma source(%dma_start3A_32 : memref<640x128xf32, #tpu.memory_space<hbm>>) target(%dma_start3A_30 : memref<640x128xf32, #tpu.memory_space<vmem_shared>>) target_semaphore(%run_scoped3A : memref<!tpu.dma_semaphore, #tpu.memory_space<semaphore_mem>>)
      %dma_wait3A_33 = arith.constant 0 : i32
      %dma_wait3A_34 = tpu.memref_slice %arg12[%mul3A_11, %dma_wait3A_33] : memref<10240x128xf32, #tpu.memory_space<vmem_shared>> -> memref<640x128xf32, #tpu.memory_space<vmem_shared>>
      %dma_wait3A_35 = arith.constant 0 : i32
      %dma_wait3A_36 = tpu.memref_slice %arg5[%mul3A_9, %dma_wait3A_35] : memref<10240x128xf32, #tpu.memory_space<hbm>> -> memref<640x128xf32, #tpu.memory_space<hbm>>
      tpu.wait_dma2 semaphore(%run_scoped3A : memref<!tpu.dma_semaphore, #tpu.memory_space<semaphore_mem>>) src(%dma_wait3A_36 : memref<640x128xf32, #tpu.memory_space<hbm>>) dst(%dma_wait3A_34 : memref<640x128xf32, #tpu.memory_space<vmem_shared>>)
      tpu.yield
    }) : () -> ()
    %dma_wait3A = arith.constant 0 : i32
    %dma_wait3A_12 = arith.constant 0 : i32
    %dma_wait3A_13 = tpu.memref_slice %arg3[%add3A, %dma_wait3A, %dma_wait3A_12] : memref<32x80x128xi32, #tpu.memory_space<hbm>> -> memref<1x80x128xi32, #tpu.memory_space<hbm>>
    %dma_wait3A_14 = tpu.memref_squeeze %dma_wait3A_13 : memref<1x80x128xi32, #tpu.memory_space<hbm>> -> memref<80x128xi32, #tpu.memory_space<hbm>>
    %dma_wait3A_15 = arith.constant 0 : i32
    %dma_wait3A_16 = arith.constant 0 : i32
    %dma_wait3A_17 = tpu.memref_slice %arg3[%add3A, %dma_wait3A_15, %dma_wait3A_16] : memref<32x80x128xi32, #tpu.memory_space<hbm>> -> memref<1x80x128xi32, #tpu.memory_space<hbm>>
    %dma_wait3A_18 = tpu.memref_squeeze %dma_wait3A_17 : memref<1x80x128xi32, #tpu.memory_space<hbm>> -> memref<80x128xi32, #tpu.memory_space<hbm>>
    tpu.wait_dma2 semaphore(%arg13 : memref<!tpu.dma_semaphore, #tpu.memory_space<semaphore_mem>>) src(%dma_wait3A_18 : memref<80x128xi32, #tpu.memory_space<hbm>>) dst(%arg7 : memref<80x128xi32, #tpu.memory_space<vmem>>)
    %barrier3A = arith.constant 0 : index
    tpu.barrier barrier_id(%barrier3A)
    %scan3A = arith.constant 0 : i32
    %scan3A_19 = arith.constant 0 : i32
    %scan3A_20 = arith.constant 40 : i32
    %scan3A_21 = arith.addi %scan3A_19, %scan3A_20 : i32
    %scan3A_22 = arith.constant 1 : i32
    scf.for %scan3A_29 = %scan3A_19 to %scan3A_21 step %scan3A_22  : i32 {
      %mul3A_30 = arith.constant 2 : i32
      %mul3A_31 = arith.muli %mul3A_30, %scan3A_29 : i32
      %add3A_32 = arith.constant 1 : i32
      %add3A_33 = arith.addi %mul3A_31, %add3A_32 : i32
      %dma_start3A_34 = arith.constant 0 : i32
      %dma_start3A_35 = tpu.memref_slice %arg4[%add3A, %mul3A_31, %dma_start3A_34] : memref<32x80x128xi32, #tpu.memory_space<hbm>> -> memref<1x1x128xi32, #tpu.memory_space<hbm>>
      %dma_start3A_36 = tpu.memref_squeeze %dma_start3A_35 : memref<1x1x128xi32, #tpu.memory_space<hbm>> -> memref<128xi32, #tpu.memory_space<hbm>>
      %dma_start3A_37 = arith.constant 0 : i32
      %dma_start3A_38 = tpu.memref_slice %arg4[%add3A, %mul3A_31, %dma_start3A_37] : memref<32x80x128xi32, #tpu.memory_space<hbm>> -> memref<1x1x128xi32, #tpu.memory_space<hbm>>
      %dma_start3A_39 = tpu.memref_squeeze %dma_start3A_38 : memref<1x1x128xi32, #tpu.memory_space<hbm>> -> memref<128xi32, #tpu.memory_space<hbm>>
      tpu.enqueue_dma source(%dma_start3A_39 : memref<128xi32, #tpu.memory_space<hbm>>) target(%arg8 : memref<128xi32, #tpu.memory_space<vmem>>) target_semaphore(%arg14 : memref<!tpu.dma_semaphore, #tpu.memory_space<semaphore_mem>>)
      %dma_start3A_40 = arith.constant 0 : i32
      %dma_start3A_41 = tpu.memref_slice %arg4[%add3A, %add3A_33, %dma_start3A_40] : memref<32x80x128xi32, #tpu.memory_space<hbm>> -> memref<1x1x128xi32, #tpu.memory_space<hbm>>
      %dma_start3A_42 = tpu.memref_squeeze %dma_start3A_41 : memref<1x1x128xi32, #tpu.memory_space<hbm>> -> memref<128xi32, #tpu.memory_space<hbm>>
      %dma_start3A_43 = arith.constant 0 : i32
      %dma_start3A_44 = tpu.memref_slice %arg4[%add3A, %add3A_33, %dma_start3A_43] : memref<32x80x128xi32, #tpu.memory_space<hbm>> -> memref<1x1x128xi32, #tpu.memory_space<hbm>>
      %dma_start3A_45 = tpu.memref_squeeze %dma_start3A_44 : memref<1x1x128xi32, #tpu.memory_space<hbm>> -> memref<128xi32, #tpu.memory_space<hbm>>
      tpu.enqueue_dma source(%dma_start3A_45 : memref<128xi32, #tpu.memory_space<hbm>>) target(%arg9 : memref<128xi32, #tpu.memory_space<vmem>>) target_semaphore(%arg15 : memref<!tpu.dma_semaphore, #tpu.memory_space<semaphore_mem>>)
      %dma_start3A_46 = arith.constant 0 : i32
      %dma_start3A_47 = tpu.memref_slice %arg7[%mul3A_31, %dma_start3A_46] : memref<80x128xi32, #tpu.memory_space<vmem>> -> memref<1x128xi32, #tpu.memory_space<vmem>>
      %dma_start3A_48 = tpu.memref_squeeze %dma_start3A_47 : memref<1x128xi32, #tpu.memory_space<vmem>> -> memref<128xi32, #tpu.memory_space<vmem>>
      %dma_start3A_49 = arith.constant 0 : i32
      %dma_start3A_50 = arith.constant 0 : i32
      %dma_start3A_51 = tpu.memref_slice %arg2[%dma_start3A_49, %dma_start3A_50] : memref<10000x128xf32, #tpu.memory_space<hbm>> -> memref<10000x128xf32, #tpu.memory_space<hbm>>
      tpu.enqueue_indirect_dma source(%dma_start3A_51 : memref<10000x128xf32, #tpu.memory_space<hbm>>) target(%arg10 : memref<128x128xf32, #tpu.memory_space<vmem>>) offsets(%dma_start3A_48 : memref<128xi32, #tpu.memory_space<vmem>>) semaphore(%arg16 : memref<!tpu.dma_semaphore, #tpu.memory_space<semaphore_mem>>)
      %dma_start3A_52 = arith.constant 0 : i32
      %dma_start3A_53 = tpu.memref_slice %arg7[%add3A_33, %dma_start3A_52] : memref<80x128xi32, #tpu.memory_space<vmem>> -> memref<1x128xi32, #tpu.memory_space<vmem>>
      %dma_start3A_54 = tpu.memref_squeeze %dma_start3A_53 : memref<1x128xi32, #tpu.memory_space<vmem>> -> memref<128xi32, #tpu.memory_space<vmem>>
      %dma_start3A_55 = arith.constant 0 : i32
      %dma_start3A_56 = arith.constant 0 : i32
      %dma_start3A_57 = tpu.memref_slice %arg2[%dma_start3A_55, %dma_start3A_56] : memref<10000x128xf32, #tpu.memory_space<hbm>> -> memref<10000x128xf32, #tpu.memory_space<hbm>>
      tpu.enqueue_indirect_dma source(%dma_start3A_57 : memref<10000x128xf32, #tpu.memory_space<hbm>>) target(%arg11 : memref<128x128xf32, #tpu.memory_space<vmem>>) offsets(%dma_start3A_54 : memref<128xi32, #tpu.memory_space<vmem>>) semaphore(%arg17 : memref<!tpu.dma_semaphore, #tpu.memory_space<semaphore_mem>>)
      %dma_wait3A_58 = arith.constant 0 : i32
      %dma_wait3A_59 = tpu.memref_slice %arg7[%mul3A_31, %dma_wait3A_58] : memref<80x128xi32, #tpu.memory_space<vmem>> -> memref<1x128xi32, #tpu.memory_space<vmem>>
      %dma_wait3A_60 = tpu.memref_squeeze %dma_wait3A_59 : memref<1x128xi32, #tpu.memory_space<vmem>> -> memref<128xi32, #tpu.memory_space<vmem>>
      %dma_wait3A_61 = arith.constant 0 : i32
      %dma_wait3A_62 = arith.constant 0 : i32
      %dma_wait3A_63 = tpu.memref_slice %arg2[%dma_wait3A_61, %dma_wait3A_62] : memref<10000x128xf32, #tpu.memory_space<hbm>> -> memref<10000x128xf32, #tpu.memory_space<hbm>>
      tpu.wait_indirect_dma semaphore(%arg16 : memref<!tpu.dma_semaphore, #tpu.memory_space<semaphore_mem>>) src(%dma_wait3A_63 : memref<10000x128xf32, #tpu.memory_space<hbm>>) dst(%arg10 : memref<128x128xf32, #tpu.memory_space<vmem>>)
      %dma_wait3A_64 = arith.constant 0 : i32
      %dma_wait3A_65 = tpu.memref_slice %arg4[%add3A, %mul3A_31, %dma_wait3A_64] : memref<32x80x128xi32, #tpu.memory_space<hbm>> -> memref<1x1x128xi32, #tpu.memory_space<hbm>>
      %dma_wait3A_66 = tpu.memref_squeeze %dma_wait3A_65 : memref<1x1x128xi32, #tpu.memory_space<hbm>> -> memref<128xi32, #tpu.memory_space<hbm>>
      %dma_wait3A_67 = arith.constant 0 : i32
      %dma_wait3A_68 = tpu.memref_slice %arg4[%add3A, %mul3A_31, %dma_wait3A_67] : memref<32x80x128xi32, #tpu.memory_space<hbm>> -> memref<1x1x128xi32, #tpu.memory_space<hbm>>
      %dma_wait3A_69 = tpu.memref_squeeze %dma_wait3A_68 : memref<1x1x128xi32, #tpu.memory_space<hbm>> -> memref<128xi32, #tpu.memory_space<hbm>>
      tpu.wait_dma2 semaphore(%arg14 : memref<!tpu.dma_semaphore, #tpu.memory_space<semaphore_mem>>) src(%dma_wait3A_69 : memref<128xi32, #tpu.memory_space<hbm>>) dst(%arg8 : memref<128xi32, #tpu.memory_space<vmem>>)
      %dma_start3A_70 = arith.constant 0 : i32
      %dma_start3A_71 = arith.constant 0 : i32
      %dma_start3A_72 = tpu.memref_slice %arg12[%dma_start3A_70, %dma_start3A_71] : memref<10240x128xf32, #tpu.memory_space<vmem_shared>> -> memref<10240x128xf32, #tpu.memory_space<vmem_shared>>
      tpu.enqueue_indirect_dma source(%arg10 : memref<128x128xf32, #tpu.memory_space<vmem>>) target(%dma_start3A_72 : memref<10240x128xf32, #tpu.memory_space<vmem_shared>>) offsets(%arg8 : memref<128xi32, #tpu.memory_space<vmem>>) semaphore(%arg18 : memref<!tpu.dma_semaphore, #tpu.memory_space<semaphore_mem>>) {add = true}
      %dma_wait3A_73 = arith.constant 0 : i32
      %dma_wait3A_74 = tpu.memref_slice %arg7[%add3A_33, %dma_wait3A_73] : memref<80x128xi32, #tpu.memory_space<vmem>> -> memref<1x128xi32, #tpu.memory_space<vmem>>
      %dma_wait3A_75 = tpu.memref_squeeze %dma_wait3A_74 : memref<1x128xi32, #tpu.memory_space<vmem>> -> memref<128xi32, #tpu.memory_space<vmem>>
      %dma_wait3A_76 = arith.constant 0 : i32
      %dma_wait3A_77 = arith.constant 0 : i32
      %dma_wait3A_78 = tpu.memref_slice %arg2[%dma_wait3A_76, %dma_wait3A_77] : memref<10000x128xf32, #tpu.memory_space<hbm>> -> memref<10000x128xf32, #tpu.memory_space<hbm>>
      tpu.wait_indirect_dma semaphore(%arg17 : memref<!tpu.dma_semaphore, #tpu.memory_space<semaphore_mem>>) src(%dma_wait3A_78 : memref<10000x128xf32, #tpu.memory_space<hbm>>) dst(%arg11 : memref<128x128xf32, #tpu.memory_space<vmem>>)
      %dma_wait3A_79 = arith.constant 0 : i32
      %dma_wait3A_80 = tpu.memref_slice %arg4[%add3A, %add3A_33, %dma_wait3A_79] : memref<32x80x128xi32, #tpu.memory_space<hbm>> -> memref<1x1x128xi32, #tpu.memory_space<hbm>>
      %dma_wait3A_81 = tpu.memref_squeeze %dma_wait3A_80 : memref<1x1x128xi32, #tpu.memory_space<hbm>> -> memref<128xi32, #tpu.memory_space<hbm>>
      %dma_wait3A_82 = arith.constant 0 : i32
      %dma_wait3A_83 = tpu.memref_slice %arg4[%add3A, %add3A_33, %dma_wait3A_82] : memref<32x80x128xi32, #tpu.memory_space<hbm>> -> memref<1x1x128xi32, #tpu.memory_space<hbm>>
      %dma_wait3A_84 = tpu.memref_squeeze %dma_wait3A_83 : memref<1x1x128xi32, #tpu.memory_space<hbm>> -> memref<128xi32, #tpu.memory_space<hbm>>
      tpu.wait_dma2 semaphore(%arg15 : memref<!tpu.dma_semaphore, #tpu.memory_space<semaphore_mem>>) src(%dma_wait3A_84 : memref<128xi32, #tpu.memory_space<hbm>>) dst(%arg9 : memref<128xi32, #tpu.memory_space<vmem>>)
      %dma_start3A_85 = arith.constant 0 : i32
      %dma_start3A_86 = arith.constant 0 : i32
      %dma_start3A_87 = tpu.memref_slice %arg12[%dma_start3A_85, %dma_start3A_86] : memref<10240x128xf32, #tpu.memory_space<vmem_shared>> -> memref<10240x128xf32, #tpu.memory_space<vmem_shared>>
      tpu.enqueue_indirect_dma source(%arg11 : memref<128x128xf32, #tpu.memory_space<vmem>>) target(%dma_start3A_87 : memref<10240x128xf32, #tpu.memory_space<vmem_shared>>) offsets(%arg9 : memref<128xi32, #tpu.memory_space<vmem>>) semaphore(%arg19 : memref<!tpu.dma_semaphore, #tpu.memory_space<semaphore_mem>>) {add = true}
      %dma_wait3A_88 = arith.constant 0 : i32
      %dma_wait3A_89 = arith.constant 0 : i32
      %dma_wait3A_90 = tpu.memref_slice %arg12[%dma_wait3A_88, %dma_wait3A_89] : memref<10240x128xf32, #tpu.memory_space<vmem_shared>> -> memref<10240x128xf32, #tpu.memory_space<vmem_shared>>
      tpu.wait_indirect_dma semaphore(%arg18 : memref<!tpu.dma_semaphore, #tpu.memory_space<semaphore_mem>>) src(%arg10 : memref<128x128xf32, #tpu.memory_space<vmem>>) dst(%dma_wait3A_90 : memref<10240x128xf32, #tpu.memory_space<vmem_shared>>)
      %dma_wait3A_91 = arith.constant 0 : i32
      %dma_wait3A_92 = arith.constant 0 : i32
      %dma_wait3A_93 = tpu.memref_slice %arg12[%dma_wait3A_91, %dma_wait3A_92] : memref<10240x128xf32, #tpu.memory_space<vmem_shared>> -> memref<10240x128xf32, #tpu.memory_space<vmem_shared>>
      tpu.wait_indirect_dma semaphore(%arg19 : memref<!tpu.dma_semaphore, #tpu.memory_space<semaphore_mem>>) src(%arg11 : memref<128x128xf32, #tpu.memory_space<vmem>>) dst(%dma_wait3A_93 : memref<10240x128xf32, #tpu.memory_space<vmem_shared>>)
    }
    %scan3A_23 = arith.constant 40 : i32
    %barrier3A_24 = arith.constant 0 : index
    tpu.barrier barrier_id(%barrier3A_24)
    %mul3A_25 = arith.constant 640 : i32
    %mul3A_26 = arith.muli %arg1, %mul3A_25 : i32
    %mul3A_27 = arith.constant 640 : i32
    %mul3A_28 = arith.muli %arg1, %mul3A_27 : i32
    "tpu.region"() ({
      %run_scoped3A = tpu.sem_alloc : memref<!tpu.dma_semaphore, #tpu.memory_space<semaphore_mem>>
      %dma_start3A_29 = arith.constant 0 : i32
      %dma_start3A_30 = tpu.memref_slice %arg6[%arg0, %mul3A_28, %dma_start3A_29] : memref<2x10240x128xf32, #tpu.memory_space<hbm>> -> memref<1x640x128xf32, #tpu.memory_space<hbm>>
      %dma_start3A_31 = tpu.memref_squeeze %dma_start3A_30 : memref<1x640x128xf32, #tpu.memory_space<hbm>> -> memref<640x128xf32, #tpu.memory_space<hbm>>
      %dma_start3A_32 = arith.constant 0 : i32
      %dma_start3A_33 = tpu.memref_slice %arg12[%mul3A_26, %dma_start3A_32] : memref<10240x128xf32, #tpu.memory_space<vmem_shared>> -> memref<640x128xf32, #tpu.memory_space<vmem_shared>>
      tpu.enqueue_dma source(%dma_start3A_33 : memref<640x128xf32, #tpu.memory_space<vmem_shared>>) target(%dma_start3A_31 : memref<640x128xf32, #tpu.memory_space<hbm>>) target_semaphore(%run_scoped3A : memref<!tpu.dma_semaphore, #tpu.memory_space<semaphore_mem>>)
      %dma_wait3A_34 = arith.constant 0 : i32
      %dma_wait3A_35 = tpu.memref_slice %arg6[%arg0, %mul3A_28, %dma_wait3A_34] : memref<2x10240x128xf32, #tpu.memory_space<hbm>> -> memref<1x640x128xf32, #tpu.memory_space<hbm>>
      %dma_wait3A_36 = tpu.memref_squeeze %dma_wait3A_35 : memref<1x640x128xf32, #tpu.memory_space<hbm>> -> memref<640x128xf32, #tpu.memory_space<hbm>>
      %dma_wait3A_37 = arith.constant 0 : i32
      %dma_wait3A_38 = tpu.memref_slice %arg12[%mul3A_26, %dma_wait3A_37] : memref<10240x128xf32, #tpu.memory_space<vmem_shared>> -> memref<640x128xf32, #tpu.memory_space<vmem_shared>>
      tpu.wait_dma2 semaphore(%run_scoped3A : memref<!tpu.dma_semaphore, #tpu.memory_space<semaphore_mem>>) src(%dma_wait3A_38 : memref<640x128xf32, #tpu.memory_space<vmem_shared>>) dst(%dma_wait3A_36 : memref<640x128xf32, #tpu.memory_space<hbm>>)
      tpu.yield
    }) : () -> ()
    return
  }
}

module attributes {stable_mosaic.version = 14 : i64} {
  func.func @_norm_mm_body(%arg0: i32, %arg1: memref<1000x128xf32, #tpu.memory_space<vmem>>, %arg2: memref<128x128xf32, #tpu.memory_space<vmem>>, %arg3: memref<1000x128xf32, #tpu.memory_space<vmem>>) attributes {dimension_semantics = [#tpu.dimension_semantics<arbitrary>], iteration_bounds = array<i64: 10>, scalar_prefetch = 0 : i64, scratch_operands = 0 : i64, tpu.core_type = #tpu.core_type<tc>, window_params = [{transform_indices = @transform_0, window_bounds = array<i64: 1000, 128>}, {pipeline_mode = #tpu.pipeline_mode<synchronous>, transform_indices = @transform_1, window_bounds = array<i64: 128, 128>}, {transform_indices = @transform_2, window_bounds = array<i64: 1000, 128>}]} {
    %get3A = arith.constant 0 : index
    %get3A_0 = arith.constant 0 : index
    %get3A_1 = vector.load %arg1[%get3A, %get3A_0] : memref<1000x128xf32, #tpu.memory_space<vmem>>, vector<1000x128xf32>
    %mul3A = arith.mulf %get3A_1, %get3A_1 : vector<1000x128xf32>
    %reduce_sum3A = arith.constant dense<0.000000e+00> : vector<1000xf32>
    %reduce_sum3A_2 = vector.multi_reduction <add>, %mul3A, %reduce_sum3A [1] : vector<1000x128xf32> to vector<1000xf32>
    %broadcast_in_dim3A = vector.shape_cast %reduce_sum3A_2 : vector<1000xf32> to vector<1000x1xf32>
    %sqrt3A = math.sqrt %broadcast_in_dim3A : vector<1000x1xf32>
    %max3A = arith.constant 9.99999996E-13 : f32
    %max3A_3 = vector.broadcast %max3A : f32 to vector<1000x1xf32>
    %max3A_4 = arith.maximumf %sqrt3A, %max3A_3 : vector<1000x1xf32>
    %div3A = vector.broadcast %max3A_4 : vector<1000x1xf32> to vector<1000x128xf32>
    %div3A_5 = arith.divf %get3A_1, %div3A : vector<1000x128xf32>
    %get3A_6 = arith.constant 0 : index
    %get3A_7 = arith.constant 0 : index
    %get3A_8 = vector.load %arg2[%get3A_6, %get3A_7] : memref<128x128xf32, #tpu.memory_space<vmem>>, vector<128x128xf32>
    %dot_general3A = arith.constant dense<0.000000e+00> : vector<1000x128xf32>
    %dot_general3A_9 = tpu.matmul %div3A_5, %get3A_8, %dot_general3A {dimension_numbers = #tpu.dot_dimension_numbers<[1], [0], [0], [1], [0, 0, 1, 1], [], []>, transpose_lhs_hint = false} : vector<1000x128xf32>, vector<128x128xf32>, vector<1000x128xf32> -> vector<1000x128xf32>
    %swap3A = arith.constant 0 : index
    %swap3A_10 = arith.constant 0 : index
    %swap3A_11 = vector.load %arg3[%swap3A, %swap3A_10] : memref<1000x128xf32, #tpu.memory_space<vmem>>, vector<1000x128xf32>
    tpu.vector_store %arg3[%swap3A, %swap3A_10], %dot_general3A_9 {strides = array<i32>} : memref<1000x128xf32, #tpu.memory_space<vmem>>, vector<1000x128xf32>,
    return
  }
  func.func @transform_0(%arg0: i32) -> (i32, i32) {
    %c0_i32 = arith.constant 0 : i32
    %c0_i32_0 = arith.constant 0 : i32
    return %arg0, %c0_i32 : i32, i32
  }
  func.func @transform_1(%arg0: i32) -> (i32, i32) {
    %c0_i32 = arith.constant 0 : i32
    %c0_i32_0 = arith.constant 0 : i32
    %c0_i32_1 = arith.constant 0 : i32
    return %c0_i32, %c0_i32_0 : i32, i32
  }
  func.func @transform_2(%arg0: i32) -> (i32, i32) {
    %c0_i32 = arith.constant 0 : i32
    %c0_i32_0 = arith.constant 0 : i32
    return %arg0, %c0_i32 : i32, i32
  }
}

module attributes {stable_mosaic.version = 14 : i64} {
  func.func @_mid_body(%arg0: i32, %arg1: memref<2x1000x128xf32, #tpu.memory_space<vmem>>, %arg2: memref<1x128xf32, #tpu.memory_space<vmem>>, %arg3: memref<128x128xf32, #tpu.memory_space<vmem>>, %arg4: memref<1000x128xf32, #tpu.memory_space<vmem>>) attributes {dimension_semantics = [#tpu.dimension_semantics<arbitrary>], iteration_bounds = array<i64: 10>, scalar_prefetch = 0 : i64, scratch_operands = 0 : i64, tpu.core_type = #tpu.core_type<tc>, window_params = [{transform_indices = @transform_0, window_bounds = array<i64: 2, 1000, 128>}, {pipeline_mode = #tpu.pipeline_mode<synchronous>, transform_indices = @transform_1, window_bounds = array<i64: 1, 128>}, {pipeline_mode = #tpu.pipeline_mode<synchronous>, transform_indices = @transform_2, window_bounds = array<i64: 128, 128>}, {transform_indices = @transform_3, window_bounds = array<i64: 1000, 128>}]} {
    %get3A = arith.constant 0 : index
    %get3A_0 = arith.constant 0 : index
    %get3A_1 = arith.constant 0 : index
    %get3A_2 = vector.load %arg1[%get3A, %get3A_0, %get3A_1] : memref<2x1000x128xf32, #tpu.memory_space<vmem>>, vector<1x1000x128xf32>
    %get3A_3 = vector.shape_cast %get3A_2 : vector<1x1000x128xf32> to vector<1000x128xf32>
    %get3A_4 = arith.constant 1 : index
    %get3A_5 = arith.constant 0 : index
    %get3A_6 = arith.constant 0 : index
    %get3A_7 = vector.load %arg1[%get3A_4, %get3A_5, %get3A_6] : memref<2x1000x128xf32, #tpu.memory_space<vmem>>, vector<1x1000x128xf32>
    %get3A_8 = vector.shape_cast %get3A_7 : vector<1x1000x128xf32> to vector<1000x128xf32>
    %add3A = arith.addf %get3A_3, %get3A_8 : vector<1000x128xf32>
    %get3A_9 = arith.constant 0 : index
    %get3A_10 = arith.constant 0 : index
    %get3A_11 = vector.load %arg2[%get3A_9, %get3A_10] : memref<1x128xf32, #tpu.memory_space<vmem>>, vector<1x128xf32>
    %add3A_12 = vector.broadcast %get3A_11 : vector<1x128xf32> to vector<1000x128xf32>
    %add3A_13 = arith.addf %add3A, %add3A_12 : vector<1000x128xf32>
    %max3A = arith.constant 0.000000e+00 : f32
    %max3A_14 = vector.broadcast %max3A : f32 to vector<1000x128xf32>
    %max3A_15 = arith.maximumf %add3A_13, %max3A_14 : vector<1000x128xf32>
    %mul3A = arith.mulf %max3A_15, %max3A_15 : vector<1000x128xf32>
    %reduce_sum3A = arith.constant dense<0.000000e+00> : vector<1000xf32>
    %reduce_sum3A_16 = vector.multi_reduction <add>, %mul3A, %reduce_sum3A [1] : vector<1000x128xf32> to vector<1000xf32>
    %broadcast_in_dim3A = vector.shape_cast %reduce_sum3A_16 : vector<1000xf32> to vector<1000x1xf32>
    %sqrt3A = math.sqrt %broadcast_in_dim3A : vector<1000x1xf32>
    %max3A_17 = arith.constant 9.99999996E-13 : f32
    %max3A_18 = vector.broadcast %max3A_17 : f32 to vector<1000x1xf32>
    %max3A_19 = arith.maximumf %sqrt3A, %max3A_18 : vector<1000x1xf32>
    %div3A = vector.broadcast %max3A_19 : vector<1000x1xf32> to vector<1000x128xf32>
    %div3A_20 = arith.divf %max3A_15, %div3A : vector<1000x128xf32>
    %get3A_21 = arith.constant 0 : index
    %get3A_22 = arith.constant 0 : index
    %get3A_23 = vector.load %arg3[%get3A_21, %get3A_22] : memref<128x128xf32, #tpu.memory_space<vmem>>, vector<128x128xf32>
    %dot_general3A = arith.constant dense<0.000000e+00> : vector<1000x128xf32>
    %dot_general3A_24 = tpu.matmul %div3A_20, %get3A_23, %dot_general3A {dimension_numbers = #tpu.dot_dimension_numbers<[1], [0], [0], [1], [0, 0, 1, 1], [], []>, transpose_lhs_hint = false} : vector<1000x128xf32>, vector<128x128xf32>, vector<1000x128xf32> -> vector<1000x128xf32>
    %swap3A = arith.constant 0 : index
    %swap3A_25 = arith.constant 0 : index
    %swap3A_26 = vector.load %arg4[%swap3A, %swap3A_25] : memref<1000x128xf32, #tpu.memory_space<vmem>>, vector<1000x128xf32>
    tpu.vector_store %arg4[%swap3A, %swap3A_25], %dot_general3A_24 {strides = array<i32>} : memref<1000x128xf32, #tpu.memory_space<vmem>>, vector<1000x128xf32>,
    return
  }
  func.func @transform_0(%arg0: i32) -> (i32, i32, i32) {
    %c0_i32 = arith.constant 0 : i32
    %c0_i32_0 = arith.constant 0 : i32
    %c0_i32_1 = arith.constant 0 : i32
    return %c0_i32, %arg0, %c0_i32_0 : i32, i32, i32
  }
  func.func @transform_1(%arg0: i32) -> (i32, i32) {
    %c0_i32 = arith.constant 0 : i32
    %c0_i32_0 = arith.constant 0 : i32
    %c0_i32_1 = arith.constant 0 : i32
    return %c0_i32, %c0_i32_0 : i32, i32
  }
  func.func @transform_2(%arg0: i32) -> (i32, i32) {
    %c0_i32 = arith.constant 0 : i32
    %c0_i32_0 = arith.constant 0 : i32
    %c0_i32_1 = arith.constant 0 : i32
    return %c0_i32, %c0_i32_0 : i32, i32
  }
  func.func @transform_3(%arg0: i32) -> (i32, i32) {
    %c0_i32 = arith.constant 0 : i32
    %c0_i32_0 = arith.constant 0 : i32
    return %arg0, %c0_i32 : i32, i32
  }
}

module attributes {stable_mosaic.version = 14 : i64} {
  func.func @_head_body(%arg0: i32, %arg1: memref<2x1000x128xf32, #tpu.memory_space<vmem>>, %arg2: memref<1x128xf32, #tpu.memory_space<vmem>>, %arg3: memref<128x128xf32, #tpu.memory_space<vmem>>, %arg4: memref<1x128xf32, #tpu.memory_space<vmem>>, %arg5: memref<128x40xf32, #tpu.memory_space<vmem>>, %arg6: memref<1x40xf32, #tpu.memory_space<vmem>>, %arg7: memref<1000x40xf32, #tpu.memory_space<vmem>>) attributes {dimension_semantics = [#tpu.dimension_semantics<arbitrary>], iteration_bounds = array<i64: 10>, scalar_prefetch = 0 : i64, scratch_operands = 0 : i64, tpu.core_type = #tpu.core_type<tc>, window_params = [{transform_indices = @transform_0, window_bounds = array<i64: 2, 1000, 128>}, {pipeline_mode = #tpu.pipeline_mode<synchronous>, transform_indices = @transform_1, window_bounds = array<i64: 1, 128>}, {pipeline_mode = #tpu.pipeline_mode<synchronous>, transform_indices = @transform_2, window_bounds = array<i64: 128, 128>}, {pipeline_mode = #tpu.pipeline_mode<synchronous>, transform_indices = @transform_3, window_bounds = array<i64: 1, 128>}, {pipeline_mode = #tpu.pipeline_mode<synchronous>, transform_indices = @transform_4, window_bounds = array<i64: 128, 40>}, {pipeline_mode = #tpu.pipeline_mode<synchronous>, transform_indices = @transform_5, window_bounds = array<i64: 1, 40>}, {transform_indices = @transform_6, window_bounds = array<i64: 1000, 40>}]} {
    %get3A = arith.constant 0 : index
    %get3A_0 = arith.constant 0 : index
    %get3A_1 = arith.constant 0 : index
    %get3A_2 = vector.load %arg1[%get3A, %get3A_0, %get3A_1] : memref<2x1000x128xf32, #tpu.memory_space<vmem>>, vector<1x1000x128xf32>
    %get3A_3 = vector.shape_cast %get3A_2 : vector<1x1000x128xf32> to vector<1000x128xf32>
    %get3A_4 = arith.constant 1 : index
    %get3A_5 = arith.constant 0 : index
    %get3A_6 = arith.constant 0 : index
    %get3A_7 = vector.load %arg1[%get3A_4, %get3A_5, %get3A_6] : memref<2x1000x128xf32, #tpu.memory_space<vmem>>, vector<1x1000x128xf32>
    %get3A_8 = vector.shape_cast %get3A_7 : vector<1x1000x128xf32> to vector<1000x128xf32>
    %add3A = arith.addf %get3A_3, %get3A_8 : vector<1000x128xf32>
    %get3A_9 = arith.constant 0 : index
    %get3A_10 = arith.constant 0 : index
    %get3A_11 = vector.load %arg2[%get3A_9, %get3A_10] : memref<1x128xf32, #tpu.memory_space<vmem>>, vector<1x128xf32>
    %add3A_12 = vector.broadcast %get3A_11 : vector<1x128xf32> to vector<1000x128xf32>
    %add3A_13 = arith.addf %add3A, %add3A_12 : vector<1000x128xf32>
    %max3A = arith.constant 0.000000e+00 : f32
    %max3A_14 = vector.broadcast %max3A : f32 to vector<1000x128xf32>
    %max3A_15 = arith.maximumf %add3A_13, %max3A_14 : vector<1000x128xf32>
    %get3A_16 = arith.constant 0 : index
    %get3A_17 = arith.constant 0 : index
    %get3A_18 = vector.load %arg3[%get3A_16, %get3A_17] : memref<128x128xf32, #tpu.memory_space<vmem>>, vector<128x128xf32>
    %dot_general3A = arith.constant dense<0.000000e+00> : vector<1000x128xf32>
    %dot_general3A_19 = tpu.matmul %max3A_15, %get3A_18, %dot_general3A {dimension_numbers = #tpu.dot_dimension_numbers<[1], [0], [0], [1], [0, 0, 1, 1], [], []>, transpose_lhs_hint = false} : vector<1000x128xf32>, vector<128x128xf32>, vector<1000x128xf32> -> vector<1000x128xf32>
    %get3A_20 = arith.constant 0 : index
    %get3A_21 = arith.constant 0 : index
    %get3A_22 = vector.load %arg4[%get3A_20, %get3A_21] : memref<1x128xf32, #tpu.memory_space<vmem>>, vector<1x128xf32>
    %add3A_23 = vector.broadcast %get3A_22 : vector<1x128xf32> to vector<1000x128xf32>
    %add3A_24 = arith.addf %dot_general3A_19, %add3A_23 : vector<1000x128xf32>
    %max3A_25 = arith.constant 0.000000e+00 : f32
    %max3A_26 = vector.broadcast %max3A_25 : f32 to vector<1000x128xf32>
    %max3A_27 = arith.maximumf %add3A_24, %max3A_26 : vector<1000x128xf32>
    %get3A_28 = arith.constant 0 : index
    %get3A_29 = arith.constant 0 : index
    %get3A_30 = vector.load %arg5[%get3A_28, %get3A_29] : memref<128x40xf32, #tpu.memory_space<vmem>>, vector<128x40xf32>
    %dot_general3A_31 = arith.constant dense<0.000000e+00> : vector<1000x40xf32>
    %dot_general3A_32 = tpu.matmul %max3A_27, %get3A_30, %dot_general3A_31 {dimension_numbers = #tpu.dot_dimension_numbers<[1], [0], [0], [1], [0, 0, 1, 1], [], []>, transpose_lhs_hint = false} : vector<1000x128xf32>, vector<128x40xf32>, vector<1000x40xf32> -> vector<1000x40xf32>
    %get3A_33 = arith.constant 0 : index
    %get3A_34 = arith.constant 0 : index
    %get3A_35 = vector.load %arg6[%get3A_33, %get3A_34] : memref<1x40xf32, #tpu.memory_space<vmem>>, vector<1x40xf32>
    %add3A_36 = vector.broadcast %get3A_35 : vector<1x40xf32> to vector<1000x40xf32>
    %add3A_37 = arith.addf %dot_general3A_32, %add3A_36 : vector<1000x40xf32>
    %reduce_max3A = arith.constant dense<0xFF800000> : vector<1000xf32>
    %reduce_max3A_38 = vector.multi_reduction <maximumf>, %add3A_37, %reduce_max3A [1] : vector<1000x40xf32> to vector<1000xf32>
    %broadcast_in_dim3A = vector.shape_cast %reduce_max3A_38 : vector<1000xf32> to vector<1000x1xf32>
    %sub3A = vector.broadcast %broadcast_in_dim3A : vector<1000x1xf32> to vector<1000x40xf32>
    %sub3A_39 = arith.subf %add3A_37, %sub3A : vector<1000x40xf32>
    %exp3A = math.exp %sub3A_39 : vector<1000x40xf32>
    %reduce_sum3A = arith.constant dense<0.000000e+00> : vector<1000xf32>
    %reduce_sum3A_40 = vector.multi_reduction <add>, %exp3A, %reduce_sum3A [1] : vector<1000x40xf32> to vector<1000xf32>
    %broadcast_in_dim3A_41 = vector.shape_cast %reduce_sum3A_40 : vector<1000xf32> to vector<1000x1xf32>
    %div3A = vector.broadcast %broadcast_in_dim3A_41 : vector<1000x1xf32> to vector<1000x40xf32>
    %div3A_42 = arith.divf %exp3A, %div3A : vector<1000x40xf32>
    %swap3A = arith.constant 0 : index
    %swap3A_43 = arith.constant 0 : index
    %swap3A_44 = vector.load %arg7[%swap3A, %swap3A_43] : memref<1000x40xf32, #tpu.memory_space<vmem>>, vector<1000x40xf32>
    tpu.vector_store %arg7[%swap3A, %swap3A_43], %div3A_42 {strides = array<i32>} : memref<1000x40xf32, #tpu.memory_space<vmem>>, vector<1000x40xf32>,
    return
  }
  func.func @transform_0(%arg0: i32) -> (i32, i32, i32) {
    %c0_i32 = arith.constant 0 : i32
    %c0_i32_0 = arith.constant 0 : i32
    %c0_i32_1 = arith.constant 0 : i32
    return %c0_i32, %arg0, %c0_i32_0 : i32, i32, i32
  }
  func.func @transform_1(%arg0: i32) -> (i32, i32) {
    %c0_i32 = arith.constant 0 : i32
    %c0_i32_0 = arith.constant 0 : i32
    %c0_i32_1 = arith.constant 0 : i32
    return %c0_i32, %c0_i32_0 : i32, i32
  }
  func.func @transform_2(%arg0: i32) -> (i32, i32) {
    %c0_i32 = arith.constant 0 : i32
    %c0_i32_0 = arith.constant 0 : i32
    %c0_i32_1 = arith.constant 0 : i32
    return %c0_i32, %c0_i32_0 : i32, i32
  }
  func.func @transform_3(%arg0: i32) -> (i32, i32) {
    %c0_i32 = arith.constant 0 : i32
    %c0_i32_0 = arith.constant 0 : i32
    %c0_i32_1 = arith.constant 0 : i32
    return %c0_i32, %c0_i32_0 : i32, i32
  }
  func.func @transform_4(%arg0: i32) -> (i32, i32) {
    %c0_i32 = arith.constant 0 : i32
    %c0_i32_0 = arith.constant 0 : i32
    %c0_i32_1 = arith.constant 0 : i32
    return %c0_i32, %c0_i32_0 : i32, i32
  }
  func.func @transform_5(%arg0: i32) -> (i32, i32) {
    %c0_i32 = arith.constant 0 : i32
    %c0_i32_0 = arith.constant 0 : i32
    %c0_i32_1 = arith.constant 0 : i32
    return %c0_i32, %c0_i32_0 : i32, i32
  }
  func.func @transform_6(%arg0: i32) -> (i32, i32) {
    %c0_i32 = arith.constant 0 : i32
    %c0_i32_0 = arith.constant 0 : i32
    return %arg0, %c0_i32 : i32, i32
  }
}

</mosaic_0001>

<sc_bundles>
// kernel: kernel.10.cloned.1.call-start
scs
__scs_entry_jumppad:
0x0: {  	(pc) =	sbr.rel $0x88, $3  }
0x1: {  	(tag) =	ssettag $0x0;
	lr =	simm.s32 $0x1  }
0x2: {  	[smem:$0x3F97] =	sst lr;
	_ =	strace $0xD0000000  }
0x3: {  	_ = 	snop  }
0x4: {  	_ = 	snop  }
0x5: {  	_ = 	snop  }
0x6: {  	_ = 	snop  }
0x7: {  	_ = 	snop  }
__scs_overlays_trampoline_lowered:
0x8: {  	[smem:$0x3FA6] =	sst s0  }
0x9: {  	[smem:$0x3FA7] =	sst s1  }
0xa: {  	[smem:$0x3FA8] =	sst s2  }
0xb: {  	[smem:$0x3FA9] =	sst s3  }
0xc: {  	[smem:$0x3FAA] =	sst s4  }
0xd: {  	[smem:$0x3FAB] =	sst s5  }
0xe: {  	[smem:$0x3FAC] =	sst s6  }
0xf: {  	[smem:$0x3FAD] =	sst s7  }
0x10: {  	[smem:$0x3FAE] =	sst s8  }
0x11: {  	[smem:$0x3FAF] =	sst s9;
	s0 =	simm.s32 @!p0 $0x0  }
0x12: {  	s1 =	sld [smem:$0x3F95];
	s0 =	simm.s32 @p0 $0x1  }
0x13: {  	[smem:$0x3FB0] =	sst s0;
	s0 =	simm.s32 @!p1 $0x0  }
0x14: {  	s2 =	sld [smem:$0x3F94];
	s0 =	simm.s32 @p1 $0x1  }
0x15: {  	[smem:$0x3FB1] =	sst s0;
	s0 =	simm.s32 @!p2 $0x0  }
0x16: {  	s3 =	sld [smem:$0x3FDB];
	s0 =	simm.s32 @p2 $0x1  }
0x17: {  	s4 =	simm.s32 $0x1BF5;
	[smem:$0x3FB3] =	sst s0  }
0x18: {  	s0 =	sld [smem:$0x3F96];
	_ =	swait.ge [sflag:s4], $0x0  }
0x19: {  	s7 =	sld [smem:$0x3F97]  }
0x1a: {  	s8 =	sadd.s32 $0xFFFFE003, lr  }
0x1b: {  	s9 =	sadd.s32 $0xFFFFFEF7, lr;
	s5 =	simm.s32 $0xFFFFFFFF;
	p2 =	slt.u32 s8, $0xFFFFF086  }
0x1c: {  	p1 =	slt.u32 s9, $0xF7A;
	s5 =	simm.s32 @!p2 $0x0  }
0x1d: {  	s5 =	simm.s32 @p1 $0x1;
	p0 =	seq.s32 s7, s2  }
0x1e: {  	s7 =	smul.u32 @!p0 $0xF7A, s2;
	p2 =	seq.s32 @!p0 s5, $0x0  }
0x1f: {  	s9 =	smul.u32 $0xF7A, s1;
	s8 =	simm.s32 @!p0 $0x1BF5;
	p2 =	por !p2, p0  }
0x20: {  	[sflag:s8] =	ssyncset.s32 @!p0 $0xFFFFF086;
	s6 =	sadd.s32 @!p0 s3, s7;
	s7 =	simm.s32 @!p0 $0x108  }
0x21: {  	s3 =	sadd.s32 s3, s9;
	s6 =	sadd.s32 @!p0 $0x88, s6;
	s7 =	simm.s32 @p2 $0x1082  }
0x22: {  	[simem:s7], [sflag:s8] =	dma.local @!p0 [hbm:s6], $0xF7A  }
0x23: {  	s9 =	sor.u32 $0xD0000000, s2;
	s6 =	simm.s32 $0x108;
	_ =	swait.ge @!p0 [sflag:s8], $0x0  }
0x24: {  	s3 =	sadd.s32 $0x88, s3;
	s6 =	simm.s32 @!p1 $0x1082;
	[sflag:s4] =	ssyncset.s32 $0xFFFFF086  }
0x25: {  	[simem:s6], [sflag:s4] =	dma.local [hbm:s3], $0xF7A  }
0x26: {  	[smem:$0x3F97] =	sst s1;
	(tag) =	ssettag s2;
	_ =	strace s9  }
0x27: {  	s1 =	sld [smem:$0x3FA7]  }
0x28: {  	s2 =	sld [smem:$0x3FA8]  }
0x29: {  	s4 =	sld [smem:$0x3FAA]  }
0x2a: {  	p0 =	seq.s32 s5, $0x0;
	s5 =	sld [smem:$0x3FAB]  }
0x2b: {  	s6 =	sld [smem:$0x3FAC]  }
0x2c: {  	s7 =	sld [smem:$0x3FAD]  }
0x2d: {  	s3 =	simm.s32 $0x108;
	s8 =	sld [smem:$0x3FAE]  }
0x2e: {  	s3 =	simm.s32 @!p0 $0x1082;
	s9 =	sld [smem:$0x3FAF]  }
0x2f: {  	lr =	sadd.s32 s0, s3;
	s0 =	sld [smem:$0x3FA6]  }
0x30: {  	s3 =	sld [smem:$0x3FA9]  }
0x31: {  	[smem:$0x3FB2] =	sst s10  }
0x32: {  	s10 =	sld [smem:$0x3FB0];
	_ =	sdelay $0x3  }
0x33: {  	p0 =	seq.s32 s10, $0x1;
	s10 =	sld [smem:$0x3FB2];
	_ =	sdelay $0x3  }
0x34: {  	[smem:$0x3FB2] =	sst s10  }
0x35: {  	s10 =	sld [smem:$0x3FB1];
	_ =	sdelay $0x3  }
0x36: {  	p1 =	seq.s32 s10, $0x1;
	s10 =	sld [smem:$0x3FB2];
	_ =	sdelay $0x3  }
0x37: {  	[smem:$0x3FB2] =	sst s10  }
0x38: {  	s10 =	sld [smem:$0x3FB3]  }
0x39: {  	_ = 	snop;
	(pc) =	sbr.ind lr, $3  }
0x3a: {  	_ = 	snop  }
0x3b: {  	_ = 	snop  }
0x3c: {  	p2 =	seq.s32 s10, $0x1;
	s10 =	sld [smem:$0x3FB2]  }
0x3d: {  	_ =	shalt  }
0x3e: {  	_ =	shalt  }
0x3f: {  	_ =	shalt  }
0x40: {  	_ =	shalt  }
0x41: {  	_ =	shalt  }
0x42: {  	_ =	shalt  }
0x43: {  	_ =	shalt  }
0x44: {  	_ =	shalt  }
0x45: {  	_ =	shalt  }
0x46: {  	_ =	shalt  }
0x47: {  	_ =	shalt  }
0x48: {  	_ =	shalt  }
0x49: {  	_ =	shalt  }
0x4a: {  	_ =	shalt  }
0x4b: {  	_ =	shalt  }
0x4c: {  	_ =	shalt  }
0x4d: {  	_ =	shalt  }
0x4e: {  	_ =	shalt  }
0x4f: {  	_ =	shalt  }
0x50: {  	_ =	shalt  }
0x51: {  	_ =	shalt  }
0x52: {  	_ =	shalt  }
0x53: {  	_ =	shalt  }
0x54: {  	_ =	shalt  }
0x55: {  	_ =	shalt  }
0x56: {  	_ =	shalt  }
0x57: {  	_ =	shalt  }
0x58: {  	_ =	shalt  }
0x59: {  	_ =	shalt  }
0x5a: {  	_ =	shalt  }
0x5b: {  	_ =	shalt  }
0x5c: {  	_ =	shalt  }
0x5d: {  	_ =	shalt  }
0x5e: {  	_ =	shalt  }
0x5f: {  	_ =	shalt  }
0x60: {  	_ =	shalt  }
0x61: {  	_ =	shalt  }
0x62: {  	_ =	shalt  }
0x63: {  	_ =	shalt  }
0x64: {  	_ =	shalt  }
0x65: {  	_ =	shalt  }
0x66: {  	_ =	shalt  }
0x67: {  	_ =	shalt  }
0x68: {  	_ =	shalt  }
0x69: {  	_ =	shalt  }
0x6a: {  	_ =	shalt  }
0x6b: {  	_ =	shalt  }
0x6c: {  	_ =	shalt  }
0x6d: {  	_ =	shalt  }
0x6e: {  	_ =	shalt  }
0x6f: {  	_ =	shalt  }
0x70: {  	_ =	shalt  }
0x71: {  	_ =	shalt  }
0x72: {  	_ =	shalt  }
0x73: {  	_ =	shalt  }
0x74: {  	_ =	shalt  }
0x75: {  	_ =	shalt  }
0x76: {  	_ =	shalt  }
0x77: {  	_ =	shalt  }
0x78: {  	_ =	shalt  }
0x79: {  	_ =	shalt  }
0x7a: {  	_ =	shalt  }
0x7b: {  	_ =	shalt  }
0x7c: {  	_ =	shalt  }
0x7d: {  	_ =	shalt  }
0x7e: {  	_ =	shalt  }
0x7f: {  	_ =	shalt  }
0x80: {  	_ =	shalt  }
0x81: {  	_ =	shalt  }
0x82: {  	_ =	shalt  }
0x83: {  	_ =	shalt  }
0x84: {  	_ =	shalt  }
0x85: {  	_ =	shalt  }
0x86: {  	_ =	shalt  }
0x87: {  	_ =	shalt  }
.Lfunc_end0:
.L_simem_size_0:
called_computation.1_lowered:
.L_overlay_start_0:
0x88: {  	s2 =	sld [smem:$0x3FD9]  }
0x89: {  	s3 =	sld [smem:$0x3FFE];
	_ =	sdelay $0x1  }
0x8a: {  	s1 =	srdreg.scid  }
0x8b: {  	s0 =	sand.u32 $0x1, s1  }
0x8c: {  	s17 =	sshll.u32 s0, $0xA;
	s2 =	sadd.s32 s3, s2  }
0x8d: {  	s2 =	sadd.s32 s2, s17  }
0x8e: {  	[smem:$0x3FBE] =	sst s2  }
0x8f: {  	_ = 	snop  }
0x90: {  	s2 =	sld [smem:$0x3FD0];
	(tm) =	ssettm $0x1  }
0x91: {  	s18 =	sld [smem:$0x3FFB];
	_ =	sdelay $0x3  }
0x92: {  	_ =	strace s18  }
0x93: {  	s3 =	sld [smem:$0x3FFC];
	_ =	sdelay $0x3  }
0x94: {  	_ =	strace s3  }
0x95: {  	s3 =	sld [smem:$0x3FFD];
	_ =	sdelay $0x3  }
0x96: {  	_ =	strace s3  }
0x97: {  	_ =	strace $0x8FFFFFFF  }
0x98: {  	s19 =	sld [smem:$0x3FDB];
	_ =	sdelay $0x1  }
0x99: {  	s4 =	simm.s32 $_scs_section_size  }
0x9a: {  	s5 =	simm.s32 $_size__tile_overlayer_lowered;
	s6 =	simm.s32 $_tile_overlayer_lowered  }
0x9b: {  	s22 =	simm.s32 $0x1BFF;
	s21 =	sshll.u32 s6, $0x1;
	s3 =	sadd.s32 s4, s19  }
0x9c: {  	s7 =	simm.s32 $0x0;
	s20 =	sshll.u32 s5, $0x1;
	s5 =	sadd.s32 s21, s3  }
0x9d: {  	[timem:s7], [sflag:s22] =	dma.local [hbm:s5], s20  }
0x9e: {  	_ =	swait.ge [sflag:s22], s20  }
0x9f: {  	s4 =	ssub.s32 $0x0, s20;
	[sflag:s22] =	ssyncset.done $0x0  }
0xa0: {  	[sflag:s22] =	ssyncadd.s32 s4;
	_ =	sdelay $0x1  }
0xa1: {  	s23 =	simm.s32 $0x1B8B  }
0xa2: {  	_ =	swait.ge [sflag:s23], $0x1  }
0xa3: {  	[sflag:s23] =	ssyncset.done $0x0  }
0xa4: {  	s25 =	simm.s32 $0x1B8E;
	s24 =	sld [smem:$0x3FFE];
	[sflag:s23] =	ssyncadd.s32 $0xFFFFFFFF  }
0xa5: {  	s26 =	simm.s32 $execute0_lowered;
	[smem:$0x3FD2] =	sst s25  }
0xa6: {  	s5 =	sshll.u32 s26, $0x1;
	_ =	strace $0x80000049;
	[dreg:$0x1] =	wrdreg $0xFFFFFFFF  }
0xa7: {  	s28 =	simm.s32 $_size_execute0_lowered;
	s3 =	sadd.s32 s3, s5;
	[dreg:$0x0] =	wrdreg $0x0  }
0xa8: {  	s5 =	sshll.u32 s28, $0x1;
	[dreg:$0x2] =	wrdreg s3  }
0xa9: {  	[dreg:$0x3] =	wrdreg s5  }
0xaa: {  	[dreg:$0x4] =	wrdreg $0xC0  }
0xab: {  	_ =	task [dreg:s7], $0x5FFFF  }
0xac: {  	[dreg:$0x1] =	wrdreg $0xFFFFFFFF  }
0xad: {  	[dreg:$0x0] =	wrdreg $0x60  }
0xae: {  	[dreg:$0x2] =	wrdreg s24  }
0xaf: {  	[dreg:$0x3] =	wrdreg s2  }
0xb0: {  	[dreg:$0x4] =	wrdreg $0xA9000  }
0xb1: {  	[dreg:$0x5] =	wrdreg $0x9  }
0xb2: {  	_ =	task.clear_ibuf [dreg:s7], $0x6FFFF;
	_ =	strace $0x90000049  }
0xb3: {  	s29 =	simm.s32 $0x9;
	_ =	strace $0x8000004B  }
0xb4: {  	_ =	swait.ge [sflag:s29], $0x1  }
0xb5: {  	[sflag:s29] =	ssyncadd.s32 $0xFFFFFFFF  }
0xb6: {  	_ =	strace $0x9000004B  }
0xb7: {  	_ =	sfence  }
0xb8: {  	s30 =	sld [smem:$0x0];
	_ =	sdelay $0x2  }
0xb9: {  	s31 =	sshll.u32 s1, $0xD;
	s1 =	sshrl.u32 s1, $0x2  }
0xba: {  	s3 =	sand.u32 $0x4000, s31;
	s1 =	sadd.s32 s1, s30  }
0xbb: {  	s0 =	sor.u32 s3, s0;
	s1 =	sshll.u32 s1, $0x11  }
0xbc: {  	s0 =	sor.u32 s1, s0  }
0xbd: {  	s0 =	sadd.s32 $0x8F2B, s0  }
0xbe: {  	[sflag:s0] =	ssyncadd.remote.s32 $0x1  }
0xbf: {  	_ =	sfence.sel $0xFFFF  }
0xc0: {  	[dreg:$0x0] =	wrdreg $0xFFFFFFFF;
	(pc) =	sbr.abs _section_cstart, $3  }
0xc1: {  	[dreg:$0x1] =	wrdreg $0xFFFFFFFF  }
0xc2: {  	_ =	task.clear_ibuf [dreg:s7], $0x2FFFF;
	_ =	strace $0x9FFFFFFF  }
0xc3: {  	(tm) =	ssettm $0x7FFFFFFF  }
tec
execute0_lowered:
.L_overlay_start_1:
0x0: {  	(tag) =	ssettag $0x1  }
0x1: {  	s0 =	rddreg [dreg:$0x0]  }
0x2: {  	s7 =	rddreg [dreg:$0x1]  }
0x3: {  	s2 =	rddreg [dreg:$0x2];
	s3 =	simm.s32 $0x0  }
0x4: {  	s1 =	stileid.u32;
	s4 =	srdreg.scid;
	s14 =	simm.s32 $0x1  }
0x5: {  	s15 =	simm.s32 $0x2800;
	s16 =	simm.s32 $0x2880;
	s17 =	simm.s32 $0x80  }
0x6: {  	s18 =	simm.s32 $0x2900;
	s19 =	simm.s32 $0x6900;
	s20 =	simm.s32 $0x4  }
0x7: {  	s21 =	simm.s32 $0x2;
	s22 =	simm.s32 $0x5;
	s23 =	simm.s32 $0x3  }
0x8: {  	s24 =	simm.s32 $0x6;
	s25 =	simm.s32 $0x7;
	[smem:$0x7FF] =	sst s3  }
0x9: {  	s6 =	smul.u32 $0x14000, s1;
	s8 =	sand.u32 $0x1, s4;
	s4 =	sadd.s32 $0xC000, s0  }
0xa: {  	s5 =	sadd.s32 $0x2000, s0;
	s26 =	smul.u32 $0x50000, s1;
	s31 =	sshll.u32 s1, $0x6  }
0xb: {  	_ =	strace $0x8000004A;
	s9 =	smul.u32 $0x140000, s8;
	s10 =	sshll.u32 s8, $0x4  }
0xc: {  	s8 =	ssub.s32 $0x2, s8;
	s11 =	sshrl.u32 s6, $0x3;
	s10 =	sor.u32 s1, s10  }
0xd: {  	s28 =	sshrl.u32 s8, $0x1;
	s29 =	sshrl.u32 s26, $0x2;
	s26 =	simm.s32 $0x0  }
0xe: {  	s11 =	sadd.s32 s11, s0;
	s9 =	sadd.s32 s6, s9;
	s6 =	smul.u32 $0x2800, s10  }
0xf: {  	s13 =	ssub.s32 s8, s28;
	s30 =	sadd.s32 s29, s2;
	s9 =	sshrl.u32 s9, $0x3  }
0x10: {  	s8 =	sadd.s32 $0x33200, s11;
	s11 =	smax.u32 s13, $0x1;
	s13 =	simm.s32 $0x8  }
0x11: {  	s0 =	sadd.s32 s9, s0;
	s12 =	sshrl.u32 s6, $0x3;
	s9 =	sor.u32 $0x1C08, s31  }
0x12: {  	s7 =	sadd.s32 s7, s12;
	s10 =	sadd.s32 $0x5B200, s0;
	s12 =	sshrl.u32 s30, $0x3  }
.LBB2_1:
0x13: {  	[tilespmem:s3], [sflag:$0x1] =	stream.linear.gather [hbm4b:s7+s3], $0x2800, $0x38;
	[tilespmem:$0x1E900] =	vst v63  }
0x14: {  	[spmem:s12], [sflag:s9] =	dma.local [hbm:s8], $0x2800  }
0x15: {  	_ =	swait.ge [sflag:s13], $0x2800  }
0x16: {  	s0 =	simm.s32 $0x0;
	[sflag:s13] =	ssyncset.done $0x0  }
0x17: {  	s28 =	sand.u32 $0x3C00, s0;
	[sflag:s13] =	ssyncadd.s32 $0xFFFFD800  }
0x18: {  	s0 =	sand.u32 $0x300, s0;
	s28 =	sadd.s32 s6, s28;
	_ =	swait.ge [sflag:s14], $0x2800  }
0x19: {  	s29 =	sand.u32 $0x380, s17;
	s0 =	sor.u32 s0, s28;
	[sflag:s14] =	ssyncset.done $0x0  }
0x1a: {  	s28 =	sor.u32 s28, s29;
	s0 =	sshrl.u32 s0, $0x3;
	[sflag:s14] =	ssyncadd.s32 $0xFFFFD800  }
0x1b: {  	s28 =	sshrl.u32 s28, $0x3;
	s0 =	sadd.s32 s5, s0;
	[bflag:$0x0] =	sbarrier.arrive $0xFFFF  }
0x1c: {  	[tilespmem:s15], [sflag:$0x2] =	stream.linear.gather [hbm4b:s0+s3], $0x80, $0x38;
	[tilespmem:$0x1E900] =	vst v63  }
0x1d: {  	s1 =	sadd.s32 s5, s28  }
0x1e: {  	[tilespmem:s16], [sflag:$0x3] =	stream.linear.gather [hbm4b:s1+s3], $0x80, $0x38;
	[tilespmem:$0x1E900] =	vst v63  }
0x1f: {  	_ = 	snop  }
0x20: {  	[tilespmem:s18], [sflag:$0x4] =	stream.indirect.gather [hbm4b:s4+s17], $0x80, s3, s17, $0xb8;
	[tilespmem:$0x1E900] =	vst v63  }
0x21: {  	s29 =	simm.s32 $0x80  }
0x22: {  	[tilespmem:s19], [sflag:$0x5] =	stream.indirect.gather [hbm4b:s4+s17], $0x80, s29, s17, $0xb8;
	[tilespmem:$0x1E900] =	vst v63  }
0x23: {  	_ =	swait.ge [sflag:s20], $0x4000  }
0x24: {  	[sflag:s20] =	ssyncset.done $0x0  }
0x25: {  	[sflag:s20] =	ssyncadd.s32 $0xFFFFC000  }
0x26: {  	_ =	swait.ge [sflag:s21], $0x80  }
0x27: {  	[sflag:s21] =	ssyncset.done $0x0  }
0x28: {  	[sflag:s21] =	ssyncadd.s32 $0xFFFFFF80  }
0x29: {  	[spmem:s2] =	stream.indirect.scatter.add.f32 [tilespmem:s18], [sflag:$0x6], $0x80, s15, s17, $0xb8;
	[tilespmem:$0x1E900] =	vst v63  }
0x2a: {  	_ =	swait.ge [sflag:s22], $0x4000  }
0x2b: {  	[sflag:s22] =	ssyncset.done $0x0  }
0x2c: {  	[sflag:s22] =	ssyncadd.s32 $0xFFFFC000  }
0x2d: {  	_ =	swait.ge [sflag:s23], $0x80  }
0x2e: {  	[sflag:s23] =	ssyncset.done $0x0  }
0x2f: {  	s30 =	simm.s32 $0x280;
	s28 =	simm.s32 $0x100;
	[sflag:s23] =	ssyncadd.s32 $0xFFFFFF80  }
0x30: {  	[spmem:s2] =	stream.indirect.scatter.add.f32 [tilespmem:s19], [sflag:$0x7], $0x80, s16, s17, $0xb8;
	[tilespmem:$0x1E900] =	vst v63  }
0x31: {  	s0 =	simm.s32 $0x180;
	s1 =	sand.u32 $0x3C00, s28;
	_ =	swait.ge [sflag:s24], $0x4000  }
0x32: {  	s28 =	sand.u32 $0x300, s28;
	s29 =	sadd.s32 s6, s1;
	[sflag:s24] =	ssyncset.done $0x0  }
0x33: {  	s0 =	sand.u32 $0x380, s0;
	s31 =	sor.u32 s28, s29;
	[sflag:s24] =	ssyncadd.s32 $0xFFFFC000  }
0x34: {  	s29 =	sor.u32 s29, s0;
	s28 =	simm.s32 $0x100;
	_ =	swait.ge [sflag:s25], $0x4000  }
0x35: {  	s0 =	sshrl.u32 s31, $0x3;
	s31 =	sshrl.u32 s29, $0x3;
	[sflag:s25] =	ssyncset.done $0x0  }
.LBB2_2:
0x36: {  	s0 =	sadd.s32 s5, s0  }
0x37: {  	[sflag:s25] =	ssyncadd.s32 $0xFFFFC000;
	s1 =	smov.u32 s30;
	s29 =	sadd.s32 $0x100, s30  }
0x38: {  	[tilespmem:s15], [sflag:$0x2] =	stream.linear.gather [hbm4b:s0+s3], $0x80, $0x38;
	[tilespmem:$0x1E900] =	vst v63  }
0x39: {  	p0 =	sne.s32 s30, $0x2780;
	s0 =	sadd.s32 s5, s31  }
0x3a: {  	[tilespmem:s16], [sflag:$0x3] =	stream.linear.gather [hbm4b:s0+s3], $0x80, $0x38;
	[tilespmem:$0x1E900] =	vst v63  }
0x3b: {  	_ = 	snop  }
0x3c: {  	[tilespmem:s18], [sflag:$0x4] =	stream.indirect.gather [hbm4b:s4+s17], $0x80, s28, s17, $0xb8;
	[tilespmem:$0x1E900] =	vst v63  }
0x3d: {  	s0 =	sadd.s32 $0x80, s28  }
0x3e: {  	[tilespmem:s19], [sflag:$0x5] =	stream.indirect.gather [hbm4b:s4+s17], $0x80, s0, s17, $0xb8;
	[tilespmem:$0x1E900] =	vst v63  }
0x3f: {  	_ =	swait.ge [sflag:s20], $0x4000  }
0x40: {  	[sflag:s20] =	ssyncset.done $0x0  }
0x41: {  	[sflag:s20] =	ssyncadd.s32 $0xFFFFC000  }
0x42: {  	_ =	swait.ge [sflag:s21], $0x80  }
0x43: {  	[sflag:s21] =	ssyncset.done $0x0  }
0x44: {  	[sflag:s21] =	ssyncadd.s32 $0xFFFFFF80  }
0x45: {  	[spmem:s2] =	stream.indirect.scatter.add.f32 [tilespmem:s18], [sflag:$0x6], $0x80, s15, s17, $0xb8;
	[tilespmem:$0x1E900] =	vst v63  }
0x46: {  	_ =	swait.ge [sflag:s22], $0x4000  }
0x47: {  	[sflag:s22] =	ssyncset.done $0x0  }
0x48: {  	[sflag:s22] =	ssyncadd.s32 $0xFFFFC000  }
0x49: {  	_ =	swait.ge [sflag:s23], $0x80  }
0x4a: {  	s28 =	sadd.s32 $0x100, s28;
	[sflag:s23] =	ssyncset.done $0x0  }
0x4b: {  	s0 =	sadd.s32 $0xFFFFFF80, s1;
	s1 =	sand.u32 $0x380, s1;
	[sflag:s23] =	ssyncadd.s32 $0xFFFFFF80  }
0x4c: {  	[spmem:s2] =	stream.indirect.scatter.add.f32 [tilespmem:s19], [sflag:$0x7], $0x80, s16, s17, $0xb8;
	[tilespmem:$0x1E900] =	vst v63  }
.Ltmp0:
0x4d: {  	s30 =	sand.u32 $0x3C00, s0;
	_ =	swait.ge [sflag:s24], $0x4000;
	(pc) =	sbr.rel @p0 .LBB2_2-.Ltmp0, $4  }
0x4e: {  	s0 =	sand.u32 $0x300, s0;
	s30 =	sadd.s32 s6, s30;
	[sflag:s24] =	ssyncset.done $0x0  }
0x4f: {  	s0 =	sor.u32 s0, s30;
	[sflag:s24] =	ssyncadd.s32 $0xFFFFC000  }
0x50: {  	s1 =	sor.u32 s30, s1;
	s30 =	smov.u32 s29;
	_ =	swait.ge [sflag:s25], $0x4000  }
0x51: {  	s0 =	sshrl.u32 s0, $0x3;
	s31 =	sshrl.u32 s1, $0x3;
	[sflag:s25] =	ssyncset.done $0x0  }
0x52: {  	s0 =	sadd.s32 s5, s0;
	[sflag:s25] =	ssyncadd.s32 $0xFFFFC000  }
0x53: {  	[tilespmem:s15], [sflag:$0x2] =	stream.linear.gather [hbm4b:s0+s3], $0x80, $0x38;
	[tilespmem:$0x1E900] =	vst v63  }
0x54: {  	s30 =	sadd.s32 s5, s31  }
0x55: {  	[tilespmem:s16], [sflag:$0x3] =	stream.linear.gather [hbm4b:s30+s3], $0x80, $0x38;
	[tilespmem:$0x1E900] =	vst v63  }
0x56: {  	_ = 	snop  }
0x57: {  	[tilespmem:s18], [sflag:$0x4] =	stream.indirect.gather [hbm4b:s4+s17], $0x80, s28, s17, $0xb8;
	[tilespmem:$0x1E900] =	vst v63  }
0x58: {  	s31 =	sadd.s32 $0x80, s28  }
0x59: {  	[tilespmem:s19], [sflag:$0x5] =	stream.indirect.gather [hbm4b:s4+s17], $0x80, s31, s17, $0xb8;
	[tilespmem:$0x1E900] =	vst v63  }
0x5a: {  	_ =	swait.ge [sflag:s20], $0x4000  }
0x5b: {  	[sflag:s20] =	ssyncset.done $0x0  }
0x5c: {  	[sflag:s20] =	ssyncadd.s32 $0xFFFFC000  }
0x5d: {  	_ =	swait.ge [sflag:s21], $0x80  }
0x5e: {  	[sflag:s21] =	ssyncset.done $0x0  }
0x5f: {  	[sflag:s21] =	ssyncadd.s32 $0xFFFFFF80  }
0x60: {  	[spmem:s2] =	stream.indirect.scatter.add.f32 [tilespmem:s18], [sflag:$0x6], $0x80, s15, s17, $0xb8;
	[tilespmem:$0x1E900] =	vst v63  }
0x61: {  	_ =	swait.ge [sflag:s22], $0x4000  }
0x62: {  	[sflag:s22] =	ssyncset.done $0x0  }
0x63: {  	[sflag:s22] =	ssyncadd.s32 $0xFFFFC000  }
0x64: {  	_ =	swait.ge [sflag:s23], $0x80  }
0x65: {  	[sflag:s23] =	ssyncset.done $0x0  }
0x66: {  	[sflag:s23] =	ssyncadd.s32 $0xFFFFFF80  }
0x67: {  	[spmem:s2] =	stream.indirect.scatter.add.f32 [tilespmem:s19], [sflag:$0x7], $0x80, s16, s17, $0xb8;
	[tilespmem:$0x1E900] =	vst v63  }
0x68: {  	_ =	swait.ge [sflag:s24], $0x4000  }
0x69: {  	[sflag:s24] =	ssyncset.done $0x0  }
0x6a: {  	[sflag:s24] =	ssyncadd.s32 $0xFFFFC000  }
0x6b: {  	_ =	swait.ge [sflag:s25], $0x4000  }
0x6c: {  	s26 =	sadd.s32 $0x1, s26;
	[sflag:s25] =	ssyncset.done $0x0  }
0x6d: {  	p0 =	sne.s32 s26, s11;
	[sflag:s25] =	ssyncadd.s32 $0xFFFFC000  }
.Ltmp1:
0x6e: {  	[bflag:$0x0] =	sbarrier.arrive $0xFFFF;
	(pc) =	sbr.rel @p0 .LBB2_1-.Ltmp1, $4  }
0x6f: {  	[hbm:s10], [sflag:s9] =	dma.local [spmem:s12], $0x2800  }
0x70: {  	_ =	swait.ge [sflag:s13], $0x2800  }
0x71: {  	[sflag:s13] =	ssyncset.done $0x0  }
0x72: {  	[sflag:s13] =	ssyncadd.s32 $0xFFFFD800  }
0x73: {  	_ =	sfence.sel $0x180000  }
0x74: {  	[bflag:$0x0] =	sbarrier.arrive $0xFFFF  }
0x75: {  	_ =	strace $0x9000004A  }
0x76: {  	s0 =	stileid.u32;
	[bflag:$0x2] =	sbarrier.arrive $0xFFFF  }
0x77: {  	p0 =	sne.s32 s0, $0x0;
	s0 =	rddreg [dreg:$0x3]  }
0x78: {  	s0 =	sadd.s32 @!p0 $0x100000, s0  }
0x79: {  	[sflag:s0] =	ssyncadd.tile.s32 @!p0 $0x1;
	_ =	shalt  }
.Lfunc_end2:
_tile_overlayer_lowered:
.L_overlay_start_2:
0x7a: {  	(tag) =	ssettag $0x2  }
0x7b: {  	s0 =	rddreg [dreg:$0x0];
	s2 =	stileid.u32  }
0x7c: {  	s1 =	rddreg [dreg:$0x1];
	p0 =	sne.s32 s2, $0x0  }
0x7d: {  	s3 =	rddreg [dreg:$0x2];
	[bflag:$0x3] =	sbarrier.arrive $0xFFFF;
	s2 =	simm.s32 @!p0 $0x1C08  }
0x7e: {  	[timem:s3], [sflag:s2] =	dma.local @!p0 [hbm:s0], s1  }
0x7f: {  	s0 =	simm.s32 @!p0 $0x8  }
0x80: {  	_ =	swait.ge @!p0 [sflag:s0], s1  }
0x81: {  	s1 =	ssub.s32 @!p0 $0x0, s1;
	[sflag:s0] =	ssyncset.done @!p0 $0x0  }
0x82: {  	[sflag:s0] =	ssyncadd.s32 @!p0 s1  }
0x83: {  	[bflag:$0x3] =	sbarrier.arrive $0xFFFF  }
0x84: {  	_ =	shalt  }

// kernel: kernel.7.cloned.1.call-start
scs
__scs_entry_jumppad:
0x0: {  	(pc) =	sbr.rel $0x88, $3  }
0x1: {  	(tag) =	ssettag $0x0;
	lr =	simm.s32 $0x1  }
0x2: {  	[smem:$0x3F97] =	sst lr;
	_ =	strace $0xD0000000  }
0x3: {  	_ = 	snop  }
0x4: {  	_ = 	snop  }
0x5: {  	_ = 	snop  }
0x6: {  	_ = 	snop  }
0x7: {  	_ = 	snop  }
__scs_overlays_trampoline_lowered:
0x8: {  	[smem:$0x3FA6] =	sst s0  }
0x9: {  	[smem:$0x3FA7] =	sst s1  }
0xa: {  	[smem:$0x3FA8] =	sst s2  }
0xb: {  	[smem:$0x3FA9] =	sst s3  }
0xc: {  	[smem:$0x3FAA] =	sst s4  }
0xd: {  	[smem:$0x3FAB] =	sst s5  }
0xe: {  	[smem:$0x3FAC] =	sst s6  }
0xf: {  	[smem:$0x3FAD] =	sst s7  }
0x10: {  	[smem:$0x3FAE] =	sst s8  }
0x11: {  	[smem:$0x3FAF] =	sst s9;
	s0 =	simm.s32 @!p0 $0x0  }
0x12: {  	s1 =	sld [smem:$0x3F95];
	s0 =	simm.s32 @p0 $0x1  }
0x13: {  	[smem:$0x3FB0] =	sst s0;
	s0 =	simm.s32 @!p1 $0x0  }
0x14: {  	s2 =	sld [smem:$0x3F94];
	s0 =	simm.s32 @p1 $0x1  }
0x15: {  	[smem:$0x3FB1] =	sst s0;
	s0 =	simm.s32 @!p2 $0x0  }
0x16: {  	s3 =	sld [smem:$0x3FDB];
	s0 =	simm.s32 @p2 $0x1  }
0x17: {  	s4 =	simm.s32 $0x1BF5;
	[smem:$0x3FB3] =	sst s0  }
0x18: {  	s0 =	sld [smem:$0x3F96];
	_ =	swait.ge [sflag:s4], $0x0  }
0x19: {  	s7 =	sld [smem:$0x3F97]  }
0x1a: {  	s8 =	sadd.s32 $0xFFFFE003, lr  }
0x1b: {  	s9 =	sadd.s32 $0xFFFFFEF7, lr;
	s5 =	simm.s32 $0xFFFFFFFF;
	p2 =	slt.u32 s8, $0xFFFFF086  }
0x1c: {  	p1 =	slt.u32 s9, $0xF7A;
	s5 =	simm.s32 @!p2 $0x0  }
0x1d: {  	s5 =	simm.s32 @p1 $0x1;
	p0 =	seq.s32 s7, s2  }
0x1e: {  	s7 =	smul.u32 @!p0 $0xF7A, s2;
	p2 =	seq.s32 @!p0 s5, $0x0  }
0x1f: {  	s9 =	smul.u32 $0xF7A, s1;
	s8 =	simm.s32 @!p0 $0x1BF5;
	p2 =	por !p2, p0  }
0x20: {  	[sflag:s8] =	ssyncset.s32 @!p0 $0xFFFFF086;
	s6 =	sadd.s32 @!p0 s3, s7;
	s7 =	simm.s32 @!p0 $0x108  }
0x21: {  	s3 =	sadd.s32 s3, s9;
	s6 =	sadd.s32 @!p0 $0x88, s6;
	s7 =	simm.s32 @p2 $0x1082  }
0x22: {  	[simem:s7], [sflag:s8] =	dma.local @!p0 [hbm:s6], $0xF7A  }
0x23: {  	s9 =	sor.u32 $0xD0000000, s2;
	s6 =	simm.s32 $0x108;
	_ =	swait.ge @!p0 [sflag:s8], $0x0  }
0x24: {  	s3 =	sadd.s32 $0x88, s3;
	s6 =	simm.s32 @!p1 $0x1082;
	[sflag:s4] =	ssyncset.s32 $0xFFFFF086  }
0x25: {  	[simem:s6], [sflag:s4] =	dma.local [hbm:s3], $0xF7A  }
0x26: {  	[smem:$0x3F97] =	sst s1;
	(tag) =	ssettag s2;
	_ =	strace s9  }
0x27: {  	s1 =	sld [smem:$0x3FA7]  }
0x28: {  	s2 =	sld [smem:$0x3FA8]  }
0x29: {  	s4 =	sld [smem:$0x3FAA]  }
0x2a: {  	p0 =	seq.s32 s5, $0x0;
	s5 =	sld [smem:$0x3FAB]  }
0x2b: {  	s6 =	sld [smem:$0x3FAC]  }
0x2c: {  	s7 =	sld [smem:$0x3FAD]  }
0x2d: {  	s3 =	simm.s32 $0x108;
	s8 =	sld [smem:$0x3FAE]  }
0x2e: {  	s3 =	simm.s32 @!p0 $0x1082;
	s9 =	sld [smem:$0x3FAF]  }
0x2f: {  	lr =	sadd.s32 s0, s3;
	s0 =	sld [smem:$0x3FA6]  }
0x30: {  	s3 =	sld [smem:$0x3FA9]  }
0x31: {  	[smem:$0x3FB2] =	sst s10  }
0x32: {  	s10 =	sld [smem:$0x3FB0];
	_ =	sdelay $0x3  }
0x33: {  	p0 =	seq.s32 s10, $0x1;
	s10 =	sld [smem:$0x3FB2];
	_ =	sdelay $0x3  }
0x34: {  	[smem:$0x3FB2] =	sst s10  }
0x35: {  	s10 =	sld [smem:$0x3FB1];
	_ =	sdelay $0x3  }
0x36: {  	p1 =	seq.s32 s10, $0x1;
	s10 =	sld [smem:$0x3FB2];
	_ =	sdelay $0x3  }
0x37: {  	[smem:$0x3FB2] =	sst s10  }
0x38: {  	s10 =	sld [smem:$0x3FB3]  }
0x39: {  	_ = 	snop;
	(pc) =	sbr.ind lr, $3  }
0x3a: {  	_ = 	snop  }
0x3b: {  	_ = 	snop  }
0x3c: {  	p2 =	seq.s32 s10, $0x1;
	s10 =	sld [smem:$0x3FB2]  }
0x3d: {  	_ =	shalt  }
0x3e: {  	_ =	shalt  }
0x3f: {  	_ =	shalt  }
0x40: {  	_ =	shalt  }
0x41: {  	_ =	shalt  }
0x42: {  	_ =	shalt  }
0x43: {  	_ =	shalt  }
0x44: {  	_ =	shalt  }
0x45: {  	_ =	shalt  }
0x46: {  	_ =	shalt  }
0x47: {  	_ =	shalt  }
0x48: {  	_ =	shalt  }
0x49: {  	_ =	shalt  }
0x4a: {  	_ =	shalt  }
0x4b: {  	_ =	shalt  }
0x4c: {  	_ =	shalt  }
0x4d: {  	_ =	shalt  }
0x4e: {  	_ =	shalt  }
0x4f: {  	_ =	shalt  }
0x50: {  	_ =	shalt  }
0x51: {  	_ =	shalt  }
0x52: {  	_ =	shalt  }
0x53: {  	_ =	shalt  }
0x54: {  	_ =	shalt  }
0x55: {  	_ =	shalt  }
0x56: {  	_ =	shalt  }
0x57: {  	_ =	shalt  }
0x58: {  	_ =	shalt  }
0x59: {  	_ =	shalt  }
0x5a: {  	_ =	shalt  }
0x5b: {  	_ =	shalt  }
0x5c: {  	_ =	shalt  }
0x5d: {  	_ =	shalt  }
0x5e: {  	_ =	shalt  }
0x5f: {  	_ =	shalt  }
0x60: {  	_ =	shalt  }
0x61: {  	_ =	shalt  }
0x62: {  	_ =	shalt  }
0x63: {  	_ =	shalt  }
0x64: {  	_ =	shalt  }
0x65: {  	_ =	shalt  }
0x66: {  	_ =	shalt  }
0x67: {  	_ =	shalt  }
0x68: {  	_ =	shalt  }
0x69: {  	_ =	shalt  }
0x6a: {  	_ =	shalt  }
0x6b: {  	_ =	shalt  }
0x6c: {  	_ =	shalt  }
0x6d: {  	_ =	shalt  }
0x6e: {  	_ =	shalt  }
0x6f: {  	_ =	shalt  }
0x70: {  	_ =	shalt  }
0x71: {  	_ =	shalt  }
0x72: {  	_ =	shalt  }
0x73: {  	_ =	shalt  }
0x74: {  	_ =	shalt  }
0x75: {  	_ =	shalt  }
0x76: {  	_ =	shalt  }
0x77: {  	_ =	shalt  }
0x78: {  	_ =	shalt  }
0x79: {  	_ =	shalt  }
0x7a: {  	_ =	shalt  }
0x7b: {  	_ =	shalt  }
0x7c: {  	_ =	shalt  }
0x7d: {  	_ =	shalt  }
0x7e: {  	_ =	shalt  }
0x7f: {  	_ =	shalt  }
0x80: {  	_ =	shalt  }
0x81: {  	_ =	shalt  }
0x82: {  	_ =	shalt  }
0x83: {  	_ =	shalt  }
0x84: {  	_ =	shalt  }
0x85: {  	_ =	shalt  }
0x86: {  	_ =	shalt  }
0x87: {  	_ =	shalt  }
.Lfunc_end0:
.L_simem_size_0:
called_computation_lowered:
.L_overlay_start_0:
0x88: {  	s2 =	sld [smem:$0x3FD9]  }
0x89: {  	s3 =	sld [smem:$0x3FFE];
	_ =	sdelay $0x1  }
0x8a: {  	s1 =	srdreg.scid  }
0x8b: {  	s0 =	sand.u32 $0x1, s1  }
0x8c: {  	s17 =	sshll.u32 s0, $0xA;
	s2 =	sadd.s32 s3, s2  }
0x8d: {  	s2 =	sadd.s32 s2, s17  }
0x8e: {  	[smem:$0x3FBE] =	sst s2  }
0x8f: {  	_ = 	snop  }
0x90: {  	s2 =	sld [smem:$0x3FD0];
	(tm) =	ssettm $0x1  }
0x91: {  	s18 =	sld [smem:$0x3FFB];
	_ =	sdelay $0x3  }
0x92: {  	_ =	strace s18  }
0x93: {  	s3 =	sld [smem:$0x3FFC];
	_ =	sdelay $0x3  }
0x94: {  	_ =	strace s3  }
0x95: {  	s3 =	sld [smem:$0x3FFD];
	_ =	sdelay $0x3  }
0x96: {  	_ =	strace s3  }
0x97: {  	_ =	strace $0x8FFFFFFF  }
0x98: {  	s19 =	sld [smem:$0x3FDB];
	_ =	sdelay $0x1  }
0x99: {  	s4 =	simm.s32 $_scs_section_size  }
0x9a: {  	s5 =	simm.s32 $_size__tile_overlayer_lowered;
	s6 =	simm.s32 $_tile_overlayer_lowered  }
0x9b: {  	s22 =	simm.s32 $0x1BFF;
	s21 =	sshll.u32 s6, $0x1;
	s3 =	sadd.s32 s4, s19  }
0x9c: {  	s7 =	simm.s32 $0x0;
	s20 =	sshll.u32 s5, $0x1;
	s5 =	sadd.s32 s21, s3  }
0x9d: {  	[timem:s7], [sflag:s22] =	dma.local [hbm:s5], s20  }
0x9e: {  	_ =	swait.ge [sflag:s22], s20  }
0x9f: {  	s4 =	ssub.s32 $0x0, s20;
	[sflag:s22] =	ssyncset.done $0x0  }
0xa0: {  	[sflag:s22] =	ssyncadd.s32 s4;
	_ =	sdelay $0x1  }
0xa1: {  	s23 =	simm.s32 $0x1B8B  }
0xa2: {  	_ =	swait.ge [sflag:s23], $0x1  }
0xa3: {  	[sflag:s23] =	ssyncset.done $0x0  }
0xa4: {  	s25 =	simm.s32 $0x1B8E;
	s24 =	sld [smem:$0x3FFE];
	[sflag:s23] =	ssyncadd.s32 $0xFFFFFFFF  }
0xa5: {  	s26 =	simm.s32 $execute0_lowered;
	[smem:$0x3FD2] =	sst s25  }
0xa6: {  	s5 =	sshll.u32 s26, $0x1;
	_ =	strace $0x80000046;
	[dreg:$0x1] =	wrdreg $0xFFFFFFFF  }
0xa7: {  	s28 =	simm.s32 $_size_execute0_lowered;
	s3 =	sadd.s32 s3, s5;
	[dreg:$0x0] =	wrdreg $0x0  }
0xa8: {  	s5 =	sshll.u32 s28, $0x1;
	[dreg:$0x2] =	wrdreg s3  }
0xa9: {  	[dreg:$0x3] =	wrdreg s5  }
0xaa: {  	[dreg:$0x4] =	wrdreg $0xC0  }
0xab: {  	_ =	task [dreg:s7], $0x5FFFF  }
0xac: {  	[dreg:$0x1] =	wrdreg $0xFFFFFFFF  }
0xad: {  	[dreg:$0x0] =	wrdreg $0x60  }
0xae: {  	[dreg:$0x2] =	wrdreg s24  }
0xaf: {  	[dreg:$0x3] =	wrdreg s2  }
0xb0: {  	[dreg:$0x4] =	wrdreg $0xA9000  }
0xb1: {  	[dreg:$0x5] =	wrdreg $0x9  }
0xb2: {  	_ =	task.clear_ibuf [dreg:s7], $0x6FFFF;
	_ =	strace $0x90000046  }
0xb3: {  	s29 =	simm.s32 $0x9;
	_ =	strace $0x80000048  }
0xb4: {  	_ =	swait.ge [sflag:s29], $0x1  }
0xb5: {  	[sflag:s29] =	ssyncadd.s32 $0xFFFFFFFF  }
0xb6: {  	_ =	strace $0x90000048  }
0xb7: {  	_ =	sfence  }
0xb8: {  	s30 =	sld [smem:$0x0];
	_ =	sdelay $0x2  }
0xb9: {  	s31 =	sshll.u32 s1, $0xD;
	s1 =	sshrl.u32 s1, $0x2  }
0xba: {  	s3 =	sand.u32 $0x4000, s31;
	s1 =	sadd.s32 s1, s30  }
0xbb: {  	s0 =	sor.u32 s3, s0;
	s1 =	sshll.u32 s1, $0x11  }
0xbc: {  	s0 =	sor.u32 s1, s0  }
0xbd: {  	s0 =	sadd.s32 $0x8F2B, s0  }
0xbe: {  	[sflag:s0] =	ssyncadd.remote.s32 $0x1  }
0xbf: {  	_ =	sfence.sel $0xFFFF  }
0xc0: {  	[dreg:$0x0] =	wrdreg $0xFFFFFFFF;
	(pc) =	sbr.abs _section_cstart, $3  }
0xc1: {  	[dreg:$0x1] =	wrdreg $0xFFFFFFFF  }
0xc2: {  	_ =	task.clear_ibuf [dreg:s7], $0x2FFFF;
	_ =	strace $0x9FFFFFFF  }
0xc3: {  	(tm) =	ssettm $0x7FFFFFFF  }
tec
execute0_lowered:
.L_overlay_start_1:
0x0: {  	(tag) =	ssettag $0x1  }
0x1: {  	s0 =	rddreg [dreg:$0x0]  }
0x2: {  	s7 =	rddreg [dreg:$0x1]  }
0x3: {  	s2 =	rddreg [dreg:$0x2];
	s3 =	simm.s32 $0x0  }
0x4: {  	s1 =	stileid.u32;
	s4 =	srdreg.scid;
	s14 =	simm.s32 $0x1  }
0x5: {  	s15 =	simm.s32 $0x2800;
	s16 =	simm.s32 $0x2880;
	s17 =	simm.s32 $0x80  }
0x6: {  	s18 =	simm.s32 $0x2900;
	s19 =	simm.s32 $0x6900;
	s20 =	simm.s32 $0x4  }
0x7: {  	s21 =	simm.s32 $0x2;
	s22 =	simm.s32 $0x5;
	s23 =	simm.s32 $0x3  }
0x8: {  	s24 =	simm.s32 $0x6;
	s25 =	simm.s32 $0x7;
	[smem:$0x7FF] =	sst s3  }
0x9: {  	s6 =	smul.u32 $0x14000, s1;
	s8 =	sand.u32 $0x1, s4;
	s4 =	sadd.s32 $0xC000, s0  }
0xa: {  	s5 =	sadd.s32 $0x2000, s0;
	s26 =	smul.u32 $0x50000, s1;
	s31 =	sshll.u32 s1, $0x6  }
0xb: {  	_ =	strace $0x80000047;
	s9 =	smul.u32 $0x140000, s8;
	s10 =	sshll.u32 s8, $0x4  }
0xc: {  	s8 =	ssub.s32 $0x2, s8;
	s11 =	sshrl.u32 s6, $0x3;
	s10 =	sor.u32 s1, s10  }
0xd: {  	s28 =	sshrl.u32 s8, $0x1;
	s29 =	sshrl.u32 s26, $0x2;
	s26 =	simm.s32 $0x0  }
0xe: {  	s11 =	sadd.s32 s11, s0;
	s9 =	sadd.s32 s6, s9;
	s6 =	smul.u32 $0x2800, s10  }
0xf: {  	s13 =	ssub.s32 s8, s28;
	s30 =	sadd.s32 s29, s2;
	s9 =	sshrl.u32 s9, $0x3  }
0x10: {  	s8 =	sadd.s32 $0x33200, s11;
	s11 =	smax.u32 s13, $0x1;
	s13 =	simm.s32 $0x8  }
0x11: {  	s0 =	sadd.s32 s9, s0;
	s12 =	sshrl.u32 s6, $0x3;
	s9 =	sor.u32 $0x1C08, s31  }
0x12: {  	s7 =	sadd.s32 s7, s12;
	s10 =	sadd.s32 $0x5B200, s0;
	s12 =	sshrl.u32 s30, $0x3  }
.LBB2_1:
0x13: {  	[tilespmem:s3], [sflag:$0x1] =	stream.linear.gather [hbm4b:s7+s3], $0x2800, $0x38;
	[tilespmem:$0x1E900] =	vst v63  }
0x14: {  	[spmem:s12], [sflag:s9] =	dma.local [hbm:s8], $0x2800  }
0x15: {  	_ =	swait.ge [sflag:s13], $0x2800  }
0x16: {  	s0 =	simm.s32 $0x0;
	[sflag:s13] =	ssyncset.done $0x0  }
0x17: {  	s28 =	sand.u32 $0x3C00, s0;
	[sflag:s13] =	ssyncadd.s32 $0xFFFFD800  }
0x18: {  	s0 =	sand.u32 $0x300, s0;
	s28 =	sadd.s32 s6, s28;
	_ =	swait.ge [sflag:s14], $0x2800  }
0x19: {  	s29 =	sand.u32 $0x380, s17;
	s0 =	sor.u32 s0, s28;
	[sflag:s14] =	ssyncset.done $0x0  }
0x1a: {  	s28 =	sor.u32 s28, s29;
	s0 =	sshrl.u32 s0, $0x3;
	[sflag:s14] =	ssyncadd.s32 $0xFFFFD800  }
0x1b: {  	s28 =	sshrl.u32 s28, $0x3;
	s0 =	sadd.s32 s5, s0;
	[bflag:$0x0] =	sbarrier.arrive $0xFFFF  }
0x1c: {  	[tilespmem:s15], [sflag:$0x2] =	stream.linear.gather [hbm4b:s0+s3], $0x80, $0x38;
	[tilespmem:$0x1E900] =	vst v63  }
0x1d: {  	s1 =	sadd.s32 s5, s28  }
0x1e: {  	[tilespmem:s16], [sflag:$0x3] =	stream.linear.gather [hbm4b:s1+s3], $0x80, $0x38;
	[tilespmem:$0x1E900] =	vst v63  }
0x1f: {  	_ = 	snop  }
0x20: {  	[tilespmem:s18], [sflag:$0x4] =	stream.indirect.gather [hbm4b:s4+s17], $0x80, s3, s17, $0xb8;
	[tilespmem:$0x1E900] =	vst v63  }
0x21: {  	s29 =	simm.s32 $0x80  }
0x22: {  	[tilespmem:s19], [sflag:$0x5] =	stream.indirect.gather [hbm4b:s4+s17], $0x80, s29, s17, $0xb8;
	[tilespmem:$0x1E900] =	vst v63  }
0x23: {  	_ =	swait.ge [sflag:s20], $0x4000  }
0x24: {  	[sflag:s20] =	ssyncset.done $0x0  }
0x25: {  	[sflag:s20] =	ssyncadd.s32 $0xFFFFC000  }
0x26: {  	_ =	swait.ge [sflag:s21], $0x80  }
0x27: {  	[sflag:s21] =	ssyncset.done $0x0  }
0x28: {  	[sflag:s21] =	ssyncadd.s32 $0xFFFFFF80  }
0x29: {  	[spmem:s2] =	stream.indirect.scatter.add.f32 [tilespmem:s18], [sflag:$0x6], $0x80, s15, s17, $0xb8;
	[tilespmem:$0x1E900] =	vst v63  }
0x2a: {  	_ =	swait.ge [sflag:s22], $0x4000  }
0x2b: {  	[sflag:s22] =	ssyncset.done $0x0  }
0x2c: {  	[sflag:s22] =	ssyncadd.s32 $0xFFFFC000  }
0x2d: {  	_ =	swait.ge [sflag:s23], $0x80  }
0x2e: {  	[sflag:s23] =	ssyncset.done $0x0  }
0x2f: {  	s30 =	simm.s32 $0x280;
	s28 =	simm.s32 $0x100;
	[sflag:s23] =	ssyncadd.s32 $0xFFFFFF80  }
0x30: {  	[spmem:s2] =	stream.indirect.scatter.add.f32 [tilespmem:s19], [sflag:$0x7], $0x80, s16, s17, $0xb8;
	[tilespmem:$0x1E900] =	vst v63  }
0x31: {  	s0 =	simm.s32 $0x180;
	s1 =	sand.u32 $0x3C00, s28;
	_ =	swait.ge [sflag:s24], $0x4000  }
0x32: {  	s28 =	sand.u32 $0x300, s28;
	s29 =	sadd.s32 s6, s1;
	[sflag:s24] =	ssyncset.done $0x0  }
0x33: {  	s0 =	sand.u32 $0x380, s0;
	s31 =	sor.u32 s28, s29;
	[sflag:s24] =	ssyncadd.s32 $0xFFFFC000  }
0x34: {  	s29 =	sor.u32 s29, s0;
	s28 =	simm.s32 $0x100;
	_ =	swait.ge [sflag:s25], $0x4000  }
0x35: {  	s0 =	sshrl.u32 s31, $0x3;
	s31 =	sshrl.u32 s29, $0x3;
	[sflag:s25] =	ssyncset.done $0x0  }
.LBB2_2:
0x36: {  	s0 =	sadd.s32 s5, s0  }
0x37: {  	[sflag:s25] =	ssyncadd.s32 $0xFFFFC000;
	s1 =	smov.u32 s30;
	s29 =	sadd.s32 $0x100, s30  }
0x38: {  	[tilespmem:s15], [sflag:$0x2] =	stream.linear.gather [hbm4b:s0+s3], $0x80, $0x38;
	[tilespmem:$0x1E900] =	vst v63  }
0x39: {  	p0 =	sne.s32 s30, $0x2780;
	s0 =	sadd.s32 s5, s31  }
0x3a: {  	[tilespmem:s16], [sflag:$0x3] =	stream.linear.gather [hbm4b:s0+s3], $0x80, $0x38;
	[tilespmem:$0x1E900] =	vst v63  }
0x3b: {  	_ = 	snop  }
0x3c: {  	[tilespmem:s18], [sflag:$0x4] =	stream.indirect.gather [hbm4b:s4+s17], $0x80, s28, s17, $0xb8;
	[tilespmem:$0x1E900] =	vst v63  }
0x3d: {  	s0 =	sadd.s32 $0x80, s28  }
0x3e: {  	[tilespmem:s19], [sflag:$0x5] =	stream.indirect.gather [hbm4b:s4+s17], $0x80, s0, s17, $0xb8;
	[tilespmem:$0x1E900] =	vst v63  }
0x3f: {  	_ =	swait.ge [sflag:s20], $0x4000  }
0x40: {  	[sflag:s20] =	ssyncset.done $0x0  }
0x41: {  	[sflag:s20] =	ssyncadd.s32 $0xFFFFC000  }
0x42: {  	_ =	swait.ge [sflag:s21], $0x80  }
0x43: {  	[sflag:s21] =	ssyncset.done $0x0  }
0x44: {  	[sflag:s21] =	ssyncadd.s32 $0xFFFFFF80  }
0x45: {  	[spmem:s2] =	stream.indirect.scatter.add.f32 [tilespmem:s18], [sflag:$0x6], $0x80, s15, s17, $0xb8;
	[tilespmem:$0x1E900] =	vst v63  }
0x46: {  	_ =	swait.ge [sflag:s22], $0x4000  }
0x47: {  	[sflag:s22] =	ssyncset.done $0x0  }
0x48: {  	[sflag:s22] =	ssyncadd.s32 $0xFFFFC000  }
0x49: {  	_ =	swait.ge [sflag:s23], $0x80  }
0x4a: {  	s28 =	sadd.s32 $0x100, s28;
	[sflag:s23] =	ssyncset.done $0x0  }
0x4b: {  	s0 =	sadd.s32 $0xFFFFFF80, s1;
	s1 =	sand.u32 $0x380, s1;
	[sflag:s23] =	ssyncadd.s32 $0xFFFFFF80  }
0x4c: {  	[spmem:s2] =	stream.indirect.scatter.add.f32 [tilespmem:s19], [sflag:$0x7], $0x80, s16, s17, $0xb8;
	[tilespmem:$0x1E900] =	vst v63  }
.Ltmp0:
0x4d: {  	s30 =	sand.u32 $0x3C00, s0;
	_ =	swait.ge [sflag:s24], $0x4000;
	(pc) =	sbr.rel @p0 .LBB2_2-.Ltmp0, $4  }
0x4e: {  	s0 =	sand.u32 $0x300, s0;
	s30 =	sadd.s32 s6, s30;
	[sflag:s24] =	ssyncset.done $0x0  }
0x4f: {  	s0 =	sor.u32 s0, s30;
	[sflag:s24] =	ssyncadd.s32 $0xFFFFC000  }
0x50: {  	s1 =	sor.u32 s30, s1;
	s30 =	smov.u32 s29;
	_ =	swait.ge [sflag:s25], $0x4000  }
0x51: {  	s0 =	sshrl.u32 s0, $0x3;
	s31 =	sshrl.u32 s1, $0x3;
	[sflag:s25] =	ssyncset.done $0x0  }
0x52: {  	s0 =	sadd.s32 s5, s0;
	[sflag:s25] =	ssyncadd.s32 $0xFFFFC000  }
0x53: {  	[tilespmem:s15], [sflag:$0x2] =	stream.linear.gather [hbm4b:s0+s3], $0x80, $0x38;
	[tilespmem:$0x1E900] =	vst v63  }
0x54: {  	s30 =	sadd.s32 s5, s31  }
0x55: {  	[tilespmem:s16], [sflag:$0x3] =	stream.linear.gather [hbm4b:s30+s3], $0x80, $0x38;
	[tilespmem:$0x1E900] =	vst v63  }
0x56: {  	_ = 	snop  }
0x57: {  	[tilespmem:s18], [sflag:$0x4] =	stream.indirect.gather [hbm4b:s4+s17], $0x80, s28, s17, $0xb8;
	[tilespmem:$0x1E900] =	vst v63  }
0x58: {  	s31 =	sadd.s32 $0x80, s28  }
0x59: {  	[tilespmem:s19], [sflag:$0x5] =	stream.indirect.gather [hbm4b:s4+s17], $0x80, s31, s17, $0xb8;
	[tilespmem:$0x1E900] =	vst v63  }
0x5a: {  	_ =	swait.ge [sflag:s20], $0x4000  }
0x5b: {  	[sflag:s20] =	ssyncset.done $0x0  }
0x5c: {  	[sflag:s20] =	ssyncadd.s32 $0xFFFFC000  }
0x5d: {  	_ =	swait.ge [sflag:s21], $0x80  }
0x5e: {  	[sflag:s21] =	ssyncset.done $0x0  }
0x5f: {  	[sflag:s21] =	ssyncadd.s32 $0xFFFFFF80  }
0x60: {  	[spmem:s2] =	stream.indirect.scatter.add.f32 [tilespmem:s18], [sflag:$0x6], $0x80, s15, s17, $0xb8;
	[tilespmem:$0x1E900] =	vst v63  }
0x61: {  	_ =	swait.ge [sflag:s22], $0x4000  }
0x62: {  	[sflag:s22] =	ssyncset.done $0x0  }
0x63: {  	[sflag:s22] =	ssyncadd.s32 $0xFFFFC000  }
0x64: {  	_ =	swait.ge [sflag:s23], $0x80  }
0x65: {  	[sflag:s23] =	ssyncset.done $0x0  }
0x66: {  	[sflag:s23] =	ssyncadd.s32 $0xFFFFFF80  }
0x67: {  	[spmem:s2] =	stream.indirect.scatter.add.f32 [tilespmem:s19], [sflag:$0x7], $0x80, s16, s17, $0xb8;
	[tilespmem:$0x1E900] =	vst v63  }
0x68: {  	_ =	swait.ge [sflag:s24], $0x4000  }
0x69: {  	[sflag:s24] =	ssyncset.done $0x0  }
0x6a: {  	[sflag:s24] =	ssyncadd.s32 $0xFFFFC000  }
0x6b: {  	_ =	swait.ge [sflag:s25], $0x4000  }
0x6c: {  	s26 =	sadd.s32 $0x1, s26;
	[sflag:s25] =	ssyncset.done $0x0  }
0x6d: {  	p0 =	sne.s32 s26, s11;
	[sflag:s25] =	ssyncadd.s32 $0xFFFFC000  }
.Ltmp1:
0x6e: {  	[bflag:$0x0] =	sbarrier.arrive $0xFFFF;
	(pc) =	sbr.rel @p0 .LBB2_1-.Ltmp1, $4  }
0x6f: {  	[hbm:s10], [sflag:s9] =	dma.local [spmem:s12], $0x2800  }
0x70: {  	_ =	swait.ge [sflag:s13], $0x2800  }
0x71: {  	[sflag:s13] =	ssyncset.done $0x0  }
0x72: {  	[sflag:s13] =	ssyncadd.s32 $0xFFFFD800  }
0x73: {  	_ =	sfence.sel $0x180000  }
0x74: {  	[bflag:$0x0] =	sbarrier.arrive $0xFFFF  }
0x75: {  	_ =	strace $0x90000047  }
0x76: {  	s0 =	stileid.u32;
	[bflag:$0x2] =	sbarrier.arrive $0xFFFF  }
0x77: {  	p0 =	sne.s32 s0, $0x0;
	s0 =	rddreg [dreg:$0x3]  }
0x78: {  	s0 =	sadd.s32 @!p0 $0x100000, s0  }
0x79: {  	[sflag:s0] =	ssyncadd.tile.s32 @!p0 $0x1;
	_ =	shalt  }
.Lfunc_end2:
_tile_overlayer_lowered:
.L_overlay_start_2:
0x7a: {  	(tag) =	ssettag $0x2  }
0x7b: {  	s0 =	rddreg [dreg:$0x0];
	s2 =	stileid.u32  }
0x7c: {  	s1 =	rddreg [dreg:$0x1];
	p0 =	sne.s32 s2, $0x0  }
0x7d: {  	s3 =	rddreg [dreg:$0x2];
	[bflag:$0x3] =	sbarrier.arrive $0xFFFF;
	s2 =	simm.s32 @!p0 $0x1C08  }
0x7e: {  	[timem:s3], [sflag:s2] =	dma.local @!p0 [hbm:s0], s1  }
0x7f: {  	s0 =	simm.s32 @!p0 $0x8  }
0x80: {  	_ =	swait.ge @!p0 [sflag:s0], s1  }
0x81: {  	s1 =	ssub.s32 @!p0 $0x0, s1;
	[sflag:s0] =	ssyncset.done @!p0 $0x0  }
0x82: {  	[sflag:s0] =	ssyncadd.s32 @!p0 s1  }
0x83: {  	[bflag:$0x3] =	sbarrier.arrive $0xFFFF  }
0x84: {  	_ =	shalt  }

</sc_bundles>
